<compile_context>
chip_gen: v7x
topology: tpu7x:2x2x1
jax: 0.10.2.dev20260603
libtpu: 0.0.44.dev20260713+nightly
codegen_flags: <defaults>
</compile_context>

<pallas_src>
import functools

import jax
import jax.numpy as jnp
from jax import lax
from jax.experimental import pallas as pl
from jax.experimental.pallas import tpu as pltpu
from jax.experimental.pallas import tpu_sc as plsc

_EMBED = 64
_WINDOW = 5
_HIDDEN = 128
_LABELS = 64
_BATCH = 16384

_NC = 2
_NS = 16
_NW = _NC * _NS
_ROWS = _BATCH * _WINDOW
_RPW = _ROWS // _NW
_CHUNK = 128
_NCHUNK = _RPW // _CHUNK


def _gather_body(idx_hbm, table_hbm, out_hbm, idx_v, rows_v, sem0, sem1):
    wid = lax.axis_index("s") * _NC + lax.axis_index("c")
    base = wid * _RPW
    pltpu.sync_copy(idx_hbm.at[wid], idx_v)
    sems = (sem0, sem1)
    cps = [None, None]
    cps[0] = pltpu.async_copy(table_hbm.at[idx_v.at[0]], rows_v.at[0], sems[0])
    for j in range(1, _NCHUNK):
        cps[j % 2] = pltpu.async_copy(
            table_hbm.at[idx_v.at[j]], rows_v.at[j % 2], sems[j % 2])
        k = j - 1
        cps[k % 2].wait()
        pltpu.sync_copy(rows_v.at[k % 2],
                        out_hbm.at[pl.ds(base + k * _CHUNK, _CHUNK)])
    k = _NCHUNK - 1
    cps[k % 2].wait()
    pltpu.sync_copy(rows_v.at[k % 2],
                    out_hbm.at[pl.ds(base + k * _CHUNK, _CHUNK)])


_sc_gather = functools.partial(
    pl.kernel,
    mesh=plsc.VectorSubcoreMesh(core_axis_name="c", subcore_axis_name="s"),
    out_type=jax.ShapeDtypeStruct((_ROWS, _EMBED), jnp.float32),
    scratch_types=[
        pltpu.VMEM((_NCHUNK, _CHUNK), jnp.int32),
        pltpu.VMEM((2, _CHUNK, _EMBED), jnp.float32),
        pltpu.SemaphoreType.DMA,
        pltpu.SemaphoreType.DMA,
    ],
    compiler_params=pltpu.CompilerParams(use_tc_tiling_on_sc=False),
)(_gather_body)


def _mlp_body(flat_ref, w1_ref, b1_ref, w2_ref, b2_ref, out_ref):
    h = jnp.tanh(
        jnp.dot(flat_ref[...], w1_ref[...],
                preferred_element_type=jnp.float32) + b1_ref[...])
    out_ref[...] = jnp.dot(
        h, w2_ref[...], preferred_element_type=jnp.float32) + b2_ref[...]


_BB = 1024


def _mlp(flat, W1, b1, W2, b2):
    return pl.pallas_call(
        _mlp_body,
        grid=(_BATCH // _BB,),
        in_specs=[
            pl.BlockSpec((_BB, _WINDOW * _EMBED), lambda i: (i, 0)),
            pl.BlockSpec((_WINDOW * _EMBED, _HIDDEN), lambda i: (0, 0)),
            pl.BlockSpec((1, _HIDDEN), lambda i: (0, 0)),
            pl.BlockSpec((_HIDDEN, _LABELS), lambda i: (0, 0)),
            pl.BlockSpec((1, _LABELS), lambda i: (0, 0)),
        ],
        out_specs=pl.BlockSpec((_BB, _LABELS), lambda i: (i, 0)),
        out_shape=jax.ShapeDtypeStruct((_BATCH, _LABELS), jnp.float32),
    )(flat, W1, b1, W2, b2)


def kernel(x, table, W1, b1, W2, b2):
    idx = x.reshape(_NW, _NCHUNK, _CHUNK)
    rows = _sc_gather(idx, table)
    flat = rows.reshape(_BATCH, _WINDOW * _EMBED)
    return _mlp(flat, W1, b1.reshape(1, _HIDDEN), W2, b2.reshape(1, _LABELS))

# --- scband reference (transcript-rebuilt; emitter-appended) ---
"""Pipeline reference for scband-window-model-12137577579265 (READ-ONLY COPY).

The authoritative reference and input builder live on the scoring server;
editing this copy changes nothing except your own understanding.
"""

import jax, jax.numpy as jnp
import numpy as np

VOCAB = 1000000
EMBED = 64
WINDOW = 5
HIDDEN = 128
LABELS = 64
BATCH = 16384

def setup_inputs(seed: int = 0) -> dict:
    key = jax.random.key(seed)
    k1, k2, k3, k4, k5, k6 = jax.random.split(key, 6)
    x = jax.random.randint(k1, (BATCH, WINDOW), 0, VOCAB, dtype=jnp.int64 if jax.config.jax_enable_x64 else jnp.int32).astype(jnp.int32)
    table = jax.random.normal(k2, (VOCAB, EMBED), dtype=jnp.float32)
    in1 = EMBED * WINDOW
    bound1 = 1.0 / np.sqrt(in1)
    W1 = jax.random.uniform(k3, (in1, HIDDEN), minval=-bound1, maxval=bound1, dtype=jnp.float32)
    b1 = jax.random.uniform(k4, (HIDDEN,), minval=-bound1, maxval=bound1, dtype=jnp.float32)
    bound2 = 1.0 / np.sqrt(HIDDEN)
    W2 = jax.random.uniform(k5, (HIDDEN, LABELS), minval=-bound2, maxval=bound2, dtype=jnp.float32)
    b2 = jax.random.uniform(k6, (LABELS,), minval=-bound2, maxval=bound2, dtype=jnp.float32)
    return {"x": x, "table": table, "W1": W1, "b1": b1, "W2": W2, "b2": b2}

def reference(x, table, W1, b1, W2, b2):
    emb = jnp.take(table, x, axis=0)              # [B, WINDOW, EMBED]
    flat = emb.reshape(-1, EMBED * WINDOW)        # [B, 320]
    h = jnp.tanh(flat @ W1 + b1)                  # [B, HIDDEN]
    out = h @ W2 + b2                             # [B, LABELS]
    return out

if __name__ == "__main__":
    import jax
    _d = setup_inputs()
    print(jax.jit(kernel)(*tuple(_d.values())))

</pallas_src>

<mosaic_0001>
#map = affine_map<(d0, d1) -> (0, 0, 0)>
#map1 = affine_map<(d0, d1) -> (0, 0)>
module attributes {stable_mosaic.version = 14 : i64} {
  func.func @_gather_body(%arg0: i32, %arg1: i32, %arg2: memref<32x20x128xi32, #tpu.memory_space<hbm>>, %arg3: memref<1000000x64xf32, #tpu.memory_space<hbm>>, %arg4: memref<81920x64xf32, #tpu.memory_space<hbm>>, %arg5: memref<20x128xi32, #tpu.memory_space<vmem>>, %arg6: memref<2x128x64xf32, #tpu.memory_space<vmem>>, %arg7: memref<!tpu.dma_semaphore, #tpu.memory_space<semaphore_mem>>, %arg8: memref<!tpu.dma_semaphore, #tpu.memory_space<semaphore_mem>>) attributes {dimension_semantics = [#tpu.dimension_semantics<core_parallel>, #tpu.dimension_semantics<subcore_parallel>], iteration_bounds = array<i64: 2, 16>, scalar_prefetch = 0 : i64, scratch_operands = 4 : i64, tpu.core_type = #tpu.core_type<sc_vector_subcore>, window_params = [{transform_indices = #map}, {transform_indices = #map1}, {transform_indices = #map1}]} {
    %mul3A = arith.constant 2 : i32
    %mul3A_0 = arith.muli %arg1, %mul3A : i32
    %add3A = arith.addi %mul3A_0, %arg0 : i32
    %mul3A_1 = arith.constant 2560 : i32
    %mul3A_2 = arith.muli %add3A, %mul3A_1 : i32
    "tpu.region"() ({
      %run_scoped3A_540 = tpu.sem_alloc : memref<!tpu.dma_semaphore, #tpu.memory_space<semaphore_mem>>
      %dma_start3A_541 = arith.constant 0 : i32
      %dma_start3A_542 = arith.constant 0 : i32
      %dma_start3A_543 = tpu.memref_slice %arg2[%add3A, %dma_start3A_541, %dma_start3A_542] : memref<32x20x128xi32, #tpu.memory_space<hbm>> -> memref<1x20x128xi32, #tpu.memory_space<hbm>>
      %dma_start3A_544 = tpu.memref_squeeze %dma_start3A_543 : memref<1x20x128xi32, #tpu.memory_space<hbm>> -> memref<20x128xi32, #tpu.memory_space<hbm>>
      %dma_start3A_545 = arith.constant 0 : i32
      %dma_start3A_546 = arith.constant 0 : i32
      %dma_start3A_547 = tpu.memref_slice %arg2[%add3A, %dma_start3A_545, %dma_start3A_546] : memref<32x20x128xi32, #tpu.memory_space<hbm>> -> memref<1x20x128xi32, #tpu.memory_space<hbm>>
      %dma_start3A_548 = tpu.memref_squeeze %dma_start3A_547 : memref<1x20x128xi32, #tpu.memory_space<hbm>> -> memref<20x128xi32, #tpu.memory_space<hbm>>
      tpu.enqueue_dma source(%dma_start3A_548 : memref<20x128xi32, #tpu.memory_space<hbm>>) target(%arg5 : memref<20x128xi32, #tpu.memory_space<vmem>>) target_semaphore(%run_scoped3A_540 : memref<!tpu.dma_semaphore, #tpu.memory_space<semaphore_mem>>)
      %dma_wait3A_549 = arith.constant 0 : i32
      %dma_wait3A_550 = arith.constant 0 : i32
      %dma_wait3A_551 = tpu.memref_slice %arg2[%add3A, %dma_wait3A_549, %dma_wait3A_550] : memref<32x20x128xi32, #tpu.memory_space<hbm>> -> memref<1x20x128xi32, #tpu.memory_space<hbm>>
      %dma_wait3A_552 = tpu.memref_squeeze %dma_wait3A_551 : memref<1x20x128xi32, #tpu.memory_space<hbm>> -> memref<20x128xi32, #tpu.memory_space<hbm>>
      %dma_wait3A_553 = arith.constant 0 : i32
      %dma_wait3A_554 = arith.constant 0 : i32
      %dma_wait3A_555 = tpu.memref_slice %arg2[%add3A, %dma_wait3A_553, %dma_wait3A_554] : memref<32x20x128xi32, #tpu.memory_space<hbm>> -> memref<1x20x128xi32, #tpu.memory_space<hbm>>
      %dma_wait3A_556 = tpu.memref_squeeze %dma_wait3A_555 : memref<1x20x128xi32, #tpu.memory_space<hbm>> -> memref<20x128xi32, #tpu.memory_space<hbm>>
      tpu.wait_dma2 semaphore(%run_scoped3A_540 : memref<!tpu.dma_semaphore, #tpu.memory_space<semaphore_mem>>) src(%dma_wait3A_556 : memref<20x128xi32, #tpu.memory_space<hbm>>) dst(%arg5 : memref<20x128xi32, #tpu.memory_space<vmem>>)
      tpu.yield
    }) : () -> ()
    %dma_start3A = arith.constant 0 : i32
    %dma_start3A_3 = arith.constant 0 : i32
    %dma_start3A_4 = arith.constant 0 : i32
    %dma_start3A_5 = arith.constant 0 : i32
    %dma_start3A_6 = tpu.memref_slice %arg6[%dma_start3A_3, %dma_start3A_4, %dma_start3A_5] : memref<2x128x64xf32, #tpu.memory_space<vmem>> -> memref<1x128x64xf32, #tpu.memory_space<vmem>>
    %dma_start3A_7 = tpu.memref_squeeze %dma_start3A_6 : memref<1x128x64xf32, #tpu.memory_space<vmem>> -> memref<128x64xf32, #tpu.memory_space<vmem>>
    %dma_start3A_8 = arith.constant 0 : i32
    %dma_start3A_9 = tpu.memref_slice %arg5[%dma_start3A, %dma_start3A_8] : memref<20x128xi32, #tpu.memory_space<vmem>> -> memref<1x128xi32, #tpu.memory_space<vmem>>
    %dma_start3A_10 = tpu.memref_squeeze %dma_start3A_9 : memref<1x128xi32, #tpu.memory_space<vmem>> -> memref<128xi32, #tpu.memory_space<vmem>>
    %dma_start3A_11 = arith.constant 0 : i32
    %dma_start3A_12 = arith.constant 0 : i32
    %dma_start3A_13 = tpu.memref_slice %arg3[%dma_start3A_11, %dma_start3A_12] : memref<1000000x64xf32, #tpu.memory_space<hbm>> -> memref<1000000x64xf32, #tpu.memory_space<hbm>>
    tpu.enqueue_indirect_dma source(%dma_start3A_13 : memref<1000000x64xf32, #tpu.memory_space<hbm>>) target(%dma_start3A_7 : memref<128x64xf32, #tpu.memory_space<vmem>>) offsets(%dma_start3A_10 : memref<128xi32, #tpu.memory_space<vmem>>) semaphore(%arg7 : memref<!tpu.dma_semaphore, #tpu.memory_space<semaphore_mem>>)
    %dma_start3A_14 = arith.constant 1 : i32
    %dma_start3A_15 = arith.constant 1 : i32
    %dma_start3A_16 = arith.constant 0 : i32
    %dma_start3A_17 = arith.constant 0 : i32
    %dma_start3A_18 = tpu.memref_slice %arg6[%dma_start3A_15, %dma_start3A_16, %dma_start3A_17] : memref<2x128x64xf32, #tpu.memory_space<vmem>> -> memref<1x128x64xf32, #tpu.memory_space<vmem>>
    %dma_start3A_19 = tpu.memref_squeeze %dma_start3A_18 : memref<1x128x64xf32, #tpu.memory_space<vmem>> -> memref<128x64xf32, #tpu.memory_space<vmem>>
    %dma_start3A_20 = arith.constant 0 : i32
    %dma_start3A_21 = tpu.memref_slice %arg5[%dma_start3A_14, %dma_start3A_20] : memref<20x128xi32, #tpu.memory_space<vmem>> -> memref<1x128xi32, #tpu.memory_space<vmem>>
    %dma_start3A_22 = tpu.memref_squeeze %dma_start3A_21 : memref<1x128xi32, #tpu.memory_space<vmem>> -> memref<128xi32, #tpu.memory_space<vmem>>
    %dma_start3A_23 = arith.constant 0 : i32
    %dma_start3A_24 = arith.constant 0 : i32
    %dma_start3A_25 = tpu.memref_slice %arg3[%dma_start3A_23, %dma_start3A_24] : memref<1000000x64xf32, #tpu.memory_space<hbm>> -> memref<1000000x64xf32, #tpu.memory_space<hbm>>
    tpu.enqueue_indirect_dma source(%dma_start3A_25 : memref<1000000x64xf32, #tpu.memory_space<hbm>>) target(%dma_start3A_19 : memref<128x64xf32, #tpu.memory_space<vmem>>) offsets(%dma_start3A_22 : memref<128xi32, #tpu.memory_space<vmem>>) semaphore(%arg8 : memref<!tpu.dma_semaphore, #tpu.memory_space<semaphore_mem>>)
    %dma_wait3A = arith.constant 0 : i32
    %dma_wait3A_26 = arith.constant 0 : i32
    %dma_wait3A_27 = arith.constant 0 : i32
    %dma_wait3A_28 = arith.constant 0 : i32
    %dma_wait3A_29 = tpu.memref_slice %arg6[%dma_wait3A_26, %dma_wait3A_27, %dma_wait3A_28] : memref<2x128x64xf32, #tpu.memory_space<vmem>> -> memref<1x128x64xf32, #tpu.memory_space<vmem>>
    %dma_wait3A_30 = tpu.memref_squeeze %dma_wait3A_29 : memref<1x128x64xf32, #tpu.memory_space<vmem>> -> memref<128x64xf32, #tpu.memory_space<vmem>>
    %dma_wait3A_31 = arith.constant 0 : i32
    %dma_wait3A_32 = tpu.memref_slice %arg5[%dma_wait3A, %dma_wait3A_31] : memref<20x128xi32, #tpu.memory_space<vmem>> -> memref<1x128xi32, #tpu.memory_space<vmem>>
    %dma_wait3A_33 = tpu.memref_squeeze %dma_wait3A_32 : memref<1x128xi32, #tpu.memory_space<vmem>> -> memref<128xi32, #tpu.memory_space<vmem>>
    %dma_wait3A_34 = arith.constant 0 : i32
    %dma_wait3A_35 = arith.constant 0 : i32
    %dma_wait3A_36 = tpu.memref_slice %arg3[%dma_wait3A_34, %dma_wait3A_35] : memref<1000000x64xf32, #tpu.memory_space<hbm>> -> memref<1000000x64xf32, #tpu.memory_space<hbm>>
    tpu.wait_indirect_dma semaphore(%arg7 : memref<!tpu.dma_semaphore, #tpu.memory_space<semaphore_mem>>) src(%dma_wait3A_36 : memref<1000000x64xf32, #tpu.memory_space<hbm>>) dst(%dma_wait3A_30 : memref<128x64xf32, #tpu.memory_space<vmem>>)
    %add3A_37 = arith.constant 0 : i32
    %add3A_38 = arith.addi %mul3A_2, %add3A_37 : i32
    %run_scoped3A = arith.constant 0 : i32
    "tpu.region"() ({
      %run_scoped3A_540 = tpu.sem_alloc : memref<!tpu.dma_semaphore, #tpu.memory_space<semaphore_mem>>
      %dma_start3A_541 = arith.constant 0 : i32
      %dma_start3A_542 = arith.constant 0 : i32
      %dma_start3A_543 = tpu.memref_slice %arg6[%run_scoped3A, %dma_start3A_541, %dma_start3A_542] : memref<2x128x64xf32, #tpu.memory_space<vmem>> -> memref<1x128x64xf32, #tpu.memory_space<vmem>>
      %dma_start3A_544 = tpu.memref_squeeze %dma_start3A_543 : memref<1x128x64xf32, #tpu.memory_space<vmem>> -> memref<128x64xf32, #tpu.memory_space<vmem>>
      %dma_start3A_545 = arith.constant 0 : i32
      %dma_start3A_546 = tpu.memref_slice %arg4[%add3A_38, %dma_start3A_545] : memref<81920x64xf32, #tpu.memory_space<hbm>> -> memref<128x64xf32, #tpu.memory_space<hbm>>
      %dma_start3A_547 = arith.constant 0 : i32
      %dma_start3A_548 = tpu.memref_slice %arg4[%add3A_38, %dma_start3A_547] : memref<81920x64xf32, #tpu.memory_space<hbm>> -> memref<128x64xf32, #tpu.memory_space<hbm>>
      %dma_start3A_549 = arith.constant 0 : i32
      %dma_start3A_550 = arith.constant 0 : i32
      %dma_start3A_551 = tpu.memref_slice %arg6[%run_scoped3A, %dma_start3A_549, %dma_start3A_550] : memref<2x128x64xf32, #tpu.memory_space<vmem>> -> memref<1x128x64xf32, #tpu.memory_space<vmem>>
      %dma_start3A_552 = tpu.memref_squeeze %dma_start3A_551 : memref<1x128x64xf32, #tpu.memory_space<vmem>> -> memref<128x64xf32, #tpu.memory_space<vmem>>
      tpu.enqueue_dma source(%dma_start3A_552 : memref<128x64xf32, #tpu.memory_space<vmem>>) target(%dma_start3A_548 : memref<128x64xf32, #tpu.memory_space<hbm>>) target_semaphore(%run_scoped3A_540 : memref<!tpu.dma_semaphore, #tpu.memory_space<semaphore_mem>>)
      %dma_wait3A_553 = arith.constant 0 : i32
      %dma_wait3A_554 = arith.constant 0 : i32
      %dma_wait3A_555 = tpu.memref_slice %arg6[%run_scoped3A, %dma_wait3A_553, %dma_wait3A_554] : memref<2x128x64xf32, #tpu.memory_space<vmem>> -> memref<1x128x64xf32, #tpu.memory_space<vmem>>
      %dma_wait3A_556 = tpu.memref_squeeze %dma_wait3A_555 : memref<1x128x64xf32, #tpu.memory_space<vmem>> -> memref<128x64xf32, #tpu.memory_space<vmem>>
      %dma_wait3A_557 = arith.constant 0 : i32
      %dma_wait3A_558 = tpu.memref_slice %arg4[%add3A_38, %dma_wait3A_557] : memref<81920x64xf32, #tpu.memory_space<hbm>> -> memref<128x64xf32, #tpu.memory_space<hbm>>
      %dma_wait3A_559 = arith.constant 0 : i32
      %dma_wait3A_560 = tpu.memref_slice %arg4[%add3A_38, %dma_wait3A_559] : memref<81920x64xf32, #tpu.memory_space<hbm>> -> memref<128x64xf32, #tpu.memory_space<hbm>>
      %dma_wait3A_561 = arith.constant 0 : i32
      %dma_wait3A_562 = arith.constant 0 : i32
      %dma_wait3A_563 = tpu.memref_slice %arg6[%run_scoped3A, %dma_wait3A_561, %dma_wait3A_562] : memref<2x128x64xf32, #tpu.memory_space<vmem>> -> memref<1x128x64xf32, #tpu.memory_space<vmem>>
      %dma_wait3A_564 = tpu.memref_squeeze %dma_wait3A_563 : memref<1x128x64xf32, #tpu.memory_space<vmem>> -> memref<128x64xf32, #tpu.memory_space<vmem>>
      tpu.wait_dma2 semaphore(%run_scoped3A_540 : memref<!tpu.dma_semaphore, #tpu.memory_space<semaphore_mem>>) src(%dma_wait3A_564 : memref<128x64xf32, #tpu.memory_space<vmem>>) dst(%dma_wait3A_560 : memref<128x64xf32, #tpu.memory_space<hbm>>)
      tpu.yield
    }) : () -> ()
    %dma_start3A_39 = arith.constant 2 : i32
    %dma_start3A_40 = arith.constant 0 : i32
    %dma_start3A_41 = arith.constant 0 : i32
    %dma_start3A_42 = arith.constant 0 : i32
    %dma_start3A_43 = tpu.memref_slice %arg6[%dma_start3A_40, %dma_start3A_41, %dma_start3A_42] : memref<2x128x64xf32, #tpu.memory_space<vmem>> -> memref<1x128x64xf32, #tpu.memory_space<vmem>>
    %dma_start3A_44 = tpu.memref_squeeze %dma_start3A_43 : memref<1x128x64xf32, #tpu.memory_space<vmem>> -> memref<128x64xf32, #tpu.memory_space<vmem>>
    %dma_start3A_45 = arith.constant 0 : i32
    %dma_start3A_46 = tpu.memref_slice %arg5[%dma_start3A_39, %dma_start3A_45] : memref<20x128xi32, #tpu.memory_space<vmem>> -> memref<1x128xi32, #tpu.memory_space<vmem>>
    %dma_start3A_47 = tpu.memref_squeeze %dma_start3A_46 : memref<1x128xi32, #tpu.memory_space<vmem>> -> memref<128xi32, #tpu.memory_space<vmem>>
    %dma_start3A_48 = arith.constant 0 : i32
    %dma_start3A_49 = arith.constant 0 : i32
    %dma_start3A_50 = tpu.memref_slice %arg3[%dma_start3A_48, %dma_start3A_49] : memref<1000000x64xf32, #tpu.memory_space<hbm>> -> memref<1000000x64xf32, #tpu.memory_space<hbm>>
    tpu.enqueue_indirect_dma source(%dma_start3A_50 : memref<1000000x64xf32, #tpu.memory_space<hbm>>) target(%dma_start3A_44 : memref<128x64xf32, #tpu.memory_space<vmem>>) offsets(%dma_start3A_47 : memref<128xi32, #tpu.memory_space<vmem>>) semaphore(%arg7 : memref<!tpu.dma_semaphore, #tpu.memory_space<semaphore_mem>>)
    %dma_wait3A_51 = arith.constant 1 : i32
    %dma_wait3A_52 = arith.constant 1 : i32
    %dma_wait3A_53 = arith.constant 0 : i32
    %dma_wait3A_54 = arith.constant 0 : i32
    %dma_wait3A_55 = tpu.memref_slice %arg6[%dma_wait3A_52, %dma_wait3A_53, %dma_wait3A_54] : memref<2x128x64xf32, #tpu.memory_space<vmem>> -> memref<1x128x64xf32, #tpu.memory_space<vmem>>
    %dma_wait3A_56 = tpu.memref_squeeze %dma_wait3A_55 : memref<1x128x64xf32, #tpu.memory_space<vmem>> -> memref<128x64xf32, #tpu.memory_space<vmem>>
    %dma_wait3A_57 = arith.constant 0 : i32
    %dma_wait3A_58 = tpu.memref_slice %arg5[%dma_wait3A_51, %dma_wait3A_57] : memref<20x128xi32, #tpu.memory_space<vmem>> -> memref<1x128xi32, #tpu.memory_space<vmem>>
    %dma_wait3A_59 = tpu.memref_squeeze %dma_wait3A_58 : memref<1x128xi32, #tpu.memory_space<vmem>> -> memref<128xi32, #tpu.memory_space<vmem>>
    %dma_wait3A_60 = arith.constant 0 : i32
    %dma_wait3A_61 = arith.constant 0 : i32
    %dma_wait3A_62 = tpu.memref_slice %arg3[%dma_wait3A_60, %dma_wait3A_61] : memref<1000000x64xf32, #tpu.memory_space<hbm>> -> memref<1000000x64xf32, #tpu.memory_space<hbm>>
    tpu.wait_indirect_dma semaphore(%arg8 : memref<!tpu.dma_semaphore, #tpu.memory_space<semaphore_mem>>) src(%dma_wait3A_62 : memref<1000000x64xf32, #tpu.memory_space<hbm>>) dst(%dma_wait3A_56 : memref<128x64xf32, #tpu.memory_space<vmem>>)
    %add3A_63 = arith.constant 128 : i32
    %add3A_64 = arith.addi %mul3A_2, %add3A_63 : i32
    %run_scoped3A_65 = arith.constant 1 : i32
    "tpu.region"() ({
      %run_scoped3A_540 = tpu.sem_alloc : memref<!tpu.dma_semaphore, #tpu.memory_space<semaphore_mem>>
      %dma_start3A_541 = arith.constant 0 : i32
      %dma_start3A_542 = arith.constant 0 : i32
      %dma_start3A_543 = tpu.memref_slice %arg6[%run_scoped3A_65, %dma_start3A_541, %dma_start3A_542] : memref<2x128x64xf32, #tpu.memory_space<vmem>> -> memref<1x128x64xf32, #tpu.memory_space<vmem>>
      %dma_start3A_544 = tpu.memref_squeeze %dma_start3A_543 : memref<1x128x64xf32, #tpu.memory_space<vmem>> -> memref<128x64xf32, #tpu.memory_space<vmem>>
      %dma_start3A_545 = arith.constant 0 : i32
      %dma_start3A_546 = tpu.memref_slice %arg4[%add3A_64, %dma_start3A_545] : memref<81920x64xf32, #tpu.memory_space<hbm>> -> memref<128x64xf32, #tpu.memory_space<hbm>>
      %dma_start3A_547 = arith.constant 0 : i32
      %dma_start3A_548 = tpu.memref_slice %arg4[%add3A_64, %dma_start3A_547] : memref<81920x64xf32, #tpu.memory_space<hbm>> -> memref<128x64xf32, #tpu.memory_space<hbm>>
      %dma_start3A_549 = arith.constant 0 : i32
      %dma_start3A_550 = arith.constant 0 : i32
      %dma_start3A_551 = tpu.memref_slice %arg6[%run_scoped3A_65, %dma_start3A_549, %dma_start3A_550] : memref<2x128x64xf32, #tpu.memory_space<vmem>> -> memref<1x128x64xf32, #tpu.memory_space<vmem>>
      %dma_start3A_552 = tpu.memref_squeeze %dma_start3A_551 : memref<1x128x64xf32, #tpu.memory_space<vmem>> -> memref<128x64xf32, #tpu.memory_space<vmem>>
      tpu.enqueue_dma source(%dma_start3A_552 : memref<128x64xf32, #tpu.memory_space<vmem>>) target(%dma_start3A_548 : memref<128x64xf32, #tpu.memory_space<hbm>>) target_semaphore(%run_scoped3A_540 : memref<!tpu.dma_semaphore, #tpu.memory_space<semaphore_mem>>)
      %dma_wait3A_553 = arith.constant 0 : i32
      %dma_wait3A_554 = arith.constant 0 : i32
      %dma_wait3A_555 = tpu.memref_slice %arg6[%run_scoped3A_65, %dma_wait3A_553, %dma_wait3A_554] : memref<2x128x64xf32, #tpu.memory_space<vmem>> -> memref<1x128x64xf32, #tpu.memory_space<vmem>>
      %dma_wait3A_556 = tpu.memref_squeeze %dma_wait3A_555 : memref<1x128x64xf32, #tpu.memory_space<vmem>> -> memref<128x64xf32, #tpu.memory_space<vmem>>
      %dma_wait3A_557 = arith.constant 0 : i32
      %dma_wait3A_558 = tpu.memref_slice %arg4[%add3A_64, %dma_wait3A_557] : memref<81920x64xf32, #tpu.memory_space<hbm>> -> memref<128x64xf32, #tpu.memory_space<hbm>>
      %dma_wait3A_559 = arith.constant 0 : i32
      %dma_wait3A_560 = tpu.memref_slice %arg4[%add3A_64, %dma_wait3A_559] : memref<81920x64xf32, #tpu.memory_space<hbm>> -> memref<128x64xf32, #tpu.memory_space<hbm>>
      %dma_wait3A_561 = arith.constant 0 : i32
      %dma_wait3A_562 = arith.constant 0 : i32
      %dma_wait3A_563 = tpu.memref_slice %arg6[%run_scoped3A_65, %dma_wait3A_561, %dma_wait3A_562] : memref<2x128x64xf32, #tpu.memory_space<vmem>> -> memref<1x128x64xf32, #tpu.memory_space<vmem>>
      %dma_wait3A_564 = tpu.memref_squeeze %dma_wait3A_563 : memref<1x128x64xf32, #tpu.memory_space<vmem>> -> memref<128x64xf32, #tpu.memory_space<vmem>>
      tpu.wait_dma2 semaphore(%run_scoped3A_540 : memref<!tpu.dma_semaphore, #tpu.memory_space<semaphore_mem>>) src(%dma_wait3A_564 : memref<128x64xf32, #tpu.memory_space<vmem>>) dst(%dma_wait3A_560 : memref<128x64xf32, #tpu.memory_space<hbm>>)
      tpu.yield
    }) : () -> ()
    %dma_start3A_66 = arith.constant 3 : i32
    %dma_start3A_67 = arith.constant 1 : i32
    %dma_start3A_68 = arith.constant 0 : i32
    %dma_start3A_69 = arith.constant 0 : i32
    %dma_start3A_70 = tpu.memref_slice %arg6[%dma_start3A_67, %dma_start3A_68, %dma_start3A_69] : memref<2x128x64xf32, #tpu.memory_space<vmem>> -> memref<1x128x64xf32, #tpu.memory_space<vmem>>
    %dma_start3A_71 = tpu.memref_squeeze %dma_start3A_70 : memref<1x128x64xf32, #tpu.memory_space<vmem>> -> memref<128x64xf32, #tpu.memory_space<vmem>>
    %dma_start3A_72 = arith.constant 0 : i32
    %dma_start3A_73 = tpu.memref_slice %arg5[%dma_start3A_66, %dma_start3A_72] : memref<20x128xi32, #tpu.memory_space<vmem>> -> memref<1x128xi32, #tpu.memory_space<vmem>>
    %dma_start3A_74 = tpu.memref_squeeze %dma_start3A_73 : memref<1x128xi32, #tpu.memory_space<vmem>> -> memref<128xi32, #tpu.memory_space<vmem>>
    %dma_start3A_75 = arith.constant 0 : i32
    %dma_start3A_76 = arith.constant 0 : i32
    %dma_start3A_77 = tpu.memref_slice %arg3[%dma_start3A_75, %dma_start3A_76] : memref<1000000x64xf32, #tpu.memory_space<hbm>> -> memref<1000000x64xf32, #tpu.memory_space<hbm>>
    tpu.enqueue_indirect_dma source(%dma_start3A_77 : memref<1000000x64xf32, #tpu.memory_space<hbm>>) target(%dma_start3A_71 : memref<128x64xf32, #tpu.memory_space<vmem>>) offsets(%dma_start3A_74 : memref<128xi32, #tpu.memory_space<vmem>>) semaphore(%arg8 : memref<!tpu.dma_semaphore, #tpu.memory_space<semaphore_mem>>)
    %dma_wait3A_78 = arith.constant 2 : i32
    %dma_wait3A_79 = arith.constant 0 : i32
    %dma_wait3A_80 = arith.constant 0 : i32
    %dma_wait3A_81 = arith.constant 0 : i32
    %dma_wait3A_82 = tpu.memref_slice %arg6[%dma_wait3A_79, %dma_wait3A_80, %dma_wait3A_81] : memref<2x128x64xf32, #tpu.memory_space<vmem>> -> memref<1x128x64xf32, #tpu.memory_space<vmem>>
    %dma_wait3A_83 = tpu.memref_squeeze %dma_wait3A_82 : memref<1x128x64xf32, #tpu.memory_space<vmem>> -> memref<128x64xf32, #tpu.memory_space<vmem>>
    %dma_wait3A_84 = arith.constant 0 : i32
    %dma_wait3A_85 = tpu.memref_slice %arg5[%dma_wait3A_78, %dma_wait3A_84] : memref<20x128xi32, #tpu.memory_space<vmem>> -> memref<1x128xi32, #tpu.memory_space<vmem>>
    %dma_wait3A_86 = tpu.memref_squeeze %dma_wait3A_85 : memref<1x128xi32, #tpu.memory_space<vmem>> -> memref<128xi32, #tpu.memory_space<vmem>>
    %dma_wait3A_87 = arith.constant 0 : i32
    %dma_wait3A_88 = arith.constant 0 : i32
    %dma_wait3A_89 = tpu.memref_slice %arg3[%dma_wait3A_87, %dma_wait3A_88] : memref<1000000x64xf32, #tpu.memory_space<hbm>> -> memref<1000000x64xf32, #tpu.memory_space<hbm>>
    tpu.wait_indirect_dma semaphore(%arg7 : memref<!tpu.dma_semaphore, #tpu.memory_space<semaphore_mem>>) src(%dma_wait3A_89 : memref<1000000x64xf32, #tpu.memory_space<hbm>>) dst(%dma_wait3A_83 : memref<128x64xf32, #tpu.memory_space<vmem>>)
    %add3A_90 = arith.constant 256 : i32
    %add3A_91 = arith.addi %mul3A_2, %add3A_90 : i32
    %run_scoped3A_92 = arith.constant 0 : i32
    "tpu.region"() ({
      %run_scoped3A_540 = tpu.sem_alloc : memref<!tpu.dma_semaphore, #tpu.memory_space<semaphore_mem>>
      %dma_start3A_541 = arith.constant 0 : i32
      %dma_start3A_542 = arith.constant 0 : i32
      %dma_start3A_543 = tpu.memref_slice %arg6[%run_scoped3A_92, %dma_start3A_541, %dma_start3A_542] : memref<2x128x64xf32, #tpu.memory_space<vmem>> -> memref<1x128x64xf32, #tpu.memory_space<vmem>>
      %dma_start3A_544 = tpu.memref_squeeze %dma_start3A_543 : memref<1x128x64xf32, #tpu.memory_space<vmem>> -> memref<128x64xf32, #tpu.memory_space<vmem>>
      %dma_start3A_545 = arith.constant 0 : i32
      %dma_start3A_546 = tpu.memref_slice %arg4[%add3A_91, %dma_start3A_545] : memref<81920x64xf32, #tpu.memory_space<hbm>> -> memref<128x64xf32, #tpu.memory_space<hbm>>
      %dma_start3A_547 = arith.constant 0 : i32
      %dma_start3A_548 = tpu.memref_slice %arg4[%add3A_91, %dma_start3A_547] : memref<81920x64xf32, #tpu.memory_space<hbm>> -> memref<128x64xf32, #tpu.memory_space<hbm>>
      %dma_start3A_549 = arith.constant 0 : i32
      %dma_start3A_550 = arith.constant 0 : i32
      %dma_start3A_551 = tpu.memref_slice %arg6[%run_scoped3A_92, %dma_start3A_549, %dma_start3A_550] : memref<2x128x64xf32, #tpu.memory_space<vmem>> -> memref<1x128x64xf32, #tpu.memory_space<vmem>>
      %dma_start3A_552 = tpu.memref_squeeze %dma_start3A_551 : memref<1x128x64xf32, #tpu.memory_space<vmem>> -> memref<128x64xf32, #tpu.memory_space<vmem>>
      tpu.enqueue_dma source(%dma_start3A_552 : memref<128x64xf32, #tpu.memory_space<vmem>>) target(%dma_start3A_548 : memref<128x64xf32, #tpu.memory_space<hbm>>) target_semaphore(%run_scoped3A_540 : memref<!tpu.dma_semaphore, #tpu.memory_space<semaphore_mem>>)
      %dma_wait3A_553 = arith.constant 0 : i32
      %dma_wait3A_554 = arith.constant 0 : i32
      %dma_wait3A_555 = tpu.memref_slice %arg6[%run_scoped3A_92, %dma_wait3A_553, %dma_wait3A_554] : memref<2x128x64xf32, #tpu.memory_space<vmem>> -> memref<1x128x64xf32, #tpu.memory_space<vmem>>
      %dma_wait3A_556 = tpu.memref_squeeze %dma_wait3A_555 : memref<1x128x64xf32, #tpu.memory_space<vmem>> -> memref<128x64xf32, #tpu.memory_space<vmem>>
      %dma_wait3A_557 = arith.constant 0 : i32
      %dma_wait3A_558 = tpu.memref_slice %arg4[%add3A_91, %dma_wait3A_557] : memref<81920x64xf32, #tpu.memory_space<hbm>> -> memref<128x64xf32, #tpu.memory_space<hbm>>
      %dma_wait3A_559 = arith.constant 0 : i32
      %dma_wait3A_560 = tpu.memref_slice %arg4[%add3A_91, %dma_wait3A_559] : memref<81920x64xf32, #tpu.memory_space<hbm>> -> memref<128x64xf32, #tpu.memory_space<hbm>>
      %dma_wait3A_561 = arith.constant 0 : i32
      %dma_wait3A_562 = arith.constant 0 : i32
      %dma_wait3A_563 = tpu.memref_slice %arg6[%run_scoped3A_92, %dma_wait3A_561, %dma_wait3A_562] : memref<2x128x64xf32, #tpu.memory_space<vmem>> -> memref<1x128x64xf32, #tpu.memory_space<vmem>>
      %dma_wait3A_564 = tpu.memref_squeeze %dma_wait3A_563 : memref<1x128x64xf32, #tpu.memory_space<vmem>> -> memref<128x64xf32, #tpu.memory_space<vmem>>
      tpu.wait_dma2 semaphore(%run_scoped3A_540 : memref<!tpu.dma_semaphore, #tpu.memory_space<semaphore_mem>>) src(%dma_wait3A_564 : memref<128x64xf32, #tpu.memory_space<vmem>>) dst(%dma_wait3A_560 : memref<128x64xf32, #tpu.memory_space<hbm>>)
      tpu.yield
    }) : () -> ()
    %dma_start3A_93 = arith.constant 4 : i32
    %dma_start3A_94 = arith.constant 0 : i32
    %dma_start3A_95 = arith.constant 0 : i32
    %dma_start3A_96 = arith.constant 0 : i32
    %dma_start3A_97 = tpu.memref_slice %arg6[%dma_start3A_94, %dma_start3A_95, %dma_start3A_96] : memref<2x128x64xf32, #tpu.memory_space<vmem>> -> memref<1x128x64xf32, #tpu.memory_space<vmem>>
    %dma_start3A_98 = tpu.memref_squeeze %dma_start3A_97 : memref<1x128x64xf32, #tpu.memory_space<vmem>> -> memref<128x64xf32, #tpu.memory_space<vmem>>
    %dma_start3A_99 = arith.constant 0 : i32
    %dma_start3A_100 = tpu.memref_slice %arg5[%dma_start3A_93, %dma_start3A_99] : memref<20x128xi32, #tpu.memory_space<vmem>> -> memref<1x128xi32, #tpu.memory_space<vmem>>
    %dma_start3A_101 = tpu.memref_squeeze %dma_start3A_100 : memref<1x128xi32, #tpu.memory_space<vmem>> -> memref<128xi32, #tpu.memory_space<vmem>>
    %dma_start3A_102 = arith.constant 0 : i32
    %dma_start3A_103 = arith.constant 0 : i32
    %dma_start3A_104 = tpu.memref_slice %arg3[%dma_start3A_102, %dma_start3A_103] : memref<1000000x64xf32, #tpu.memory_space<hbm>> -> memref<1000000x64xf32, #tpu.memory_space<hbm>>
    tpu.enqueue_indirect_dma source(%dma_start3A_104 : memref<1000000x64xf32, #tpu.memory_space<hbm>>) target(%dma_start3A_98 : memref<128x64xf32, #tpu.memory_space<vmem>>) offsets(%dma_start3A_101 : memref<128xi32, #tpu.memory_space<vmem>>) semaphore(%arg7 : memref<!tpu.dma_semaphore, #tpu.memory_space<semaphore_mem>>)
    %dma_wait3A_105 = arith.constant 3 : i32
    %dma_wait3A_106 = arith.constant 1 : i32
    %dma_wait3A_107 = arith.constant 0 : i32
    %dma_wait3A_108 = arith.constant 0 : i32
    %dma_wait3A_109 = tpu.memref_slice %arg6[%dma_wait3A_106, %dma_wait3A_107, %dma_wait3A_108] : memref<2x128x64xf32, #tpu.memory_space<vmem>> -> memref<1x128x64xf32, #tpu.memory_space<vmem>>
    %dma_wait3A_110 = tpu.memref_squeeze %dma_wait3A_109 : memref<1x128x64xf32, #tpu.memory_space<vmem>> -> memref<128x64xf32, #tpu.memory_space<vmem>>
    %dma_wait3A_111 = arith.constant 0 : i32
    %dma_wait3A_112 = tpu.memref_slice %arg5[%dma_wait3A_105, %dma_wait3A_111] : memref<20x128xi32, #tpu.memory_space<vmem>> -> memref<1x128xi32, #tpu.memory_space<vmem>>
    %dma_wait3A_113 = tpu.memref_squeeze %dma_wait3A_112 : memref<1x128xi32, #tpu.memory_space<vmem>> -> memref<128xi32, #tpu.memory_space<vmem>>
    %dma_wait3A_114 = arith.constant 0 : i32
    %dma_wait3A_115 = arith.constant 0 : i32
    %dma_wait3A_116 = tpu.memref_slice %arg3[%dma_wait3A_114, %dma_wait3A_115] : memref<1000000x64xf32, #tpu.memory_space<hbm>> -> memref<1000000x64xf32, #tpu.memory_space<hbm>>
    tpu.wait_indirect_dma semaphore(%arg8 : memref<!tpu.dma_semaphore, #tpu.memory_space<semaphore_mem>>) src(%dma_wait3A_116 : memref<1000000x64xf32, #tpu.memory_space<hbm>>) dst(%dma_wait3A_110 : memref<128x64xf32, #tpu.memory_space<vmem>>)
    %add3A_117 = arith.constant 384 : i32
    %add3A_118 = arith.addi %mul3A_2, %add3A_117 : i32
    %run_scoped3A_119 = arith.constant 1 : i32
    "tpu.region"() ({
      %run_scoped3A_540 = tpu.sem_alloc : memref<!tpu.dma_semaphore, #tpu.memory_space<semaphore_mem>>
      %dma_start3A_541 = arith.constant 0 : i32
      %dma_start3A_542 = arith.constant 0 : i32
      %dma_start3A_543 = tpu.memref_slice %arg6[%run_scoped3A_119, %dma_start3A_541, %dma_start3A_542] : memref<2x128x64xf32, #tpu.memory_space<vmem>> -> memref<1x128x64xf32, #tpu.memory_space<vmem>>
      %dma_start3A_544 = tpu.memref_squeeze %dma_start3A_543 : memref<1x128x64xf32, #tpu.memory_space<vmem>> -> memref<128x64xf32, #tpu.memory_space<vmem>>
      %dma_start3A_545 = arith.constant 0 : i32
      %dma_start3A_546 = tpu.memref_slice %arg4[%add3A_118, %dma_start3A_545] : memref<81920x64xf32, #tpu.memory_space<hbm>> -> memref<128x64xf32, #tpu.memory_space<hbm>>
      %dma_start3A_547 = arith.constant 0 : i32
      %dma_start3A_548 = tpu.memref_slice %arg4[%add3A_118, %dma_start3A_547] : memref<81920x64xf32, #tpu.memory_space<hbm>> -> memref<128x64xf32, #tpu.memory_space<hbm>>
      %dma_start3A_549 = arith.constant 0 : i32
      %dma_start3A_550 = arith.constant 0 : i32
      %dma_start3A_551 = tpu.memref_slice %arg6[%run_scoped3A_119, %dma_start3A_549, %dma_start3A_550] : memref<2x128x64xf32, #tpu.memory_space<vmem>> -> memref<1x128x64xf32, #tpu.memory_space<vmem>>
      %dma_start3A_552 = tpu.memref_squeeze %dma_start3A_551 : memref<1x128x64xf32, #tpu.memory_space<vmem>> -> memref<128x64xf32, #tpu.memory_space<vmem>>
      tpu.enqueue_dma source(%dma_start3A_552 : memref<128x64xf32, #tpu.memory_space<vmem>>) target(%dma_start3A_548 : memref<128x64xf32, #tpu.memory_space<hbm>>) target_semaphore(%run_scoped3A_540 : memref<!tpu.dma_semaphore, #tpu.memory_space<semaphore_mem>>)
      %dma_wait3A_553 = arith.constant 0 : i32
      %dma_wait3A_554 = arith.constant 0 : i32
      %dma_wait3A_555 = tpu.memref_slice %arg6[%run_scoped3A_119, %dma_wait3A_553, %dma_wait3A_554] : memref<2x128x64xf32, #tpu.memory_space<vmem>> -> memref<1x128x64xf32, #tpu.memory_space<vmem>>
      %dma_wait3A_556 = tpu.memref_squeeze %dma_wait3A_555 : memref<1x128x64xf32, #tpu.memory_space<vmem>> -> memref<128x64xf32, #tpu.memory_space<vmem>>
      %dma_wait3A_557 = arith.constant 0 : i32
      %dma_wait3A_558 = tpu.memref_slice %arg4[%add3A_118, %dma_wait3A_557] : memref<81920x64xf32, #tpu.memory_space<hbm>> -> memref<128x64xf32, #tpu.memory_space<hbm>>
      %dma_wait3A_559 = arith.constant 0 : i32
      %dma_wait3A_560 = tpu.memref_slice %arg4[%add3A_118, %dma_wait3A_559] : memref<81920x64xf32, #tpu.memory_space<hbm>> -> memref<128x64xf32, #tpu.memory_space<hbm>>
      %dma_wait3A_561 = arith.constant 0 : i32
      %dma_wait3A_562 = arith.constant 0 : i32
      %dma_wait3A_563 = tpu.memref_slice %arg6[%run_scoped3A_119, %dma_wait3A_561, %dma_wait3A_562] : memref<2x128x64xf32, #tpu.memory_space<vmem>> -> memref<1x128x64xf32, #tpu.memory_space<vmem>>
      %dma_wait3A_564 = tpu.memref_squeeze %dma_wait3A_563 : memref<1x128x64xf32, #tpu.memory_space<vmem>> -> memref<128x64xf32, #tpu.memory_space<vmem>>
      tpu.wait_dma2 semaphore(%run_scoped3A_540 : memref<!tpu.dma_semaphore, #tpu.memory_space<semaphore_mem>>) src(%dma_wait3A_564 : memref<128x64xf32, #tpu.memory_space<vmem>>) dst(%dma_wait3A_560 : memref<128x64xf32, #tpu.memory_space<hbm>>)
      tpu.yield
    }) : () -> ()
    %dma_start3A_120 = arith.constant 5 : i32
    %dma_start3A_121 = arith.constant 1 : i32
    %dma_start3A_122 = arith.constant 0 : i32
    %dma_start3A_123 = arith.constant 0 : i32
    %dma_start3A_124 = tpu.memref_slice %arg6[%dma_start3A_121, %dma_start3A_122, %dma_start3A_123] : memref<2x128x64xf32, #tpu.memory_space<vmem>> -> memref<1x128x64xf32, #tpu.memory_space<vmem>>
    %dma_start3A_125 = tpu.memref_squeeze %dma_start3A_124 : memref<1x128x64xf32, #tpu.memory_space<vmem>> -> memref<128x64xf32, #tpu.memory_space<vmem>>
    %dma_start3A_126 = arith.constant 0 : i32
    %dma_start3A_127 = tpu.memref_slice %arg5[%dma_start3A_120, %dma_start3A_126] : memref<20x128xi32, #tpu.memory_space<vmem>> -> memref<1x128xi32, #tpu.memory_space<vmem>>
    %dma_start3A_128 = tpu.memref_squeeze %dma_start3A_127 : memref<1x128xi32, #tpu.memory_space<vmem>> -> memref<128xi32, #tpu.memory_space<vmem>>
    %dma_start3A_129 = arith.constant 0 : i32
    %dma_start3A_130 = arith.constant 0 : i32
    %dma_start3A_131 = tpu.memref_slice %arg3[%dma_start3A_129, %dma_start3A_130] : memref<1000000x64xf32, #tpu.memory_space<hbm>> -> memref<1000000x64xf32, #tpu.memory_space<hbm>>
    tpu.enqueue_indirect_dma source(%dma_start3A_131 : memref<1000000x64xf32, #tpu.memory_space<hbm>>) target(%dma_start3A_125 : memref<128x64xf32, #tpu.memory_space<vmem>>) offsets(%dma_start3A_128 : memref<128xi32, #tpu.memory_space<vmem>>) semaphore(%arg8 : memref<!tpu.dma_semaphore, #tpu.memory_space<semaphore_mem>>)
    %dma_wait3A_132 = arith.constant 4 : i32
    %dma_wait3A_133 = arith.constant 0 : i32
    %dma_wait3A_134 = arith.constant 0 : i32
    %dma_wait3A_135 = arith.constant 0 : i32
    %dma_wait3A_136 = tpu.memref_slice %arg6[%dma_wait3A_133, %dma_wait3A_134, %dma_wait3A_135] : memref<2x128x64xf32, #tpu.memory_space<vmem>> -> memref<1x128x64xf32, #tpu.memory_space<vmem>>
    %dma_wait3A_137 = tpu.memref_squeeze %dma_wait3A_136 : memref<1x128x64xf32, #tpu.memory_space<vmem>> -> memref<128x64xf32, #tpu.memory_space<vmem>>
    %dma_wait3A_138 = arith.constant 0 : i32
    %dma_wait3A_139 = tpu.memref_slice %arg5[%dma_wait3A_132, %dma_wait3A_138] : memref<20x128xi32, #tpu.memory_space<vmem>> -> memref<1x128xi32, #tpu.memory_space<vmem>>
    %dma_wait3A_140 = tpu.memref_squeeze %dma_wait3A_139 : memref<1x128xi32, #tpu.memory_space<vmem>> -> memref<128xi32, #tpu.memory_space<vmem>>
    %dma_wait3A_141 = arith.constant 0 : i32
    %dma_wait3A_142 = arith.constant 0 : i32
    %dma_wait3A_143 = tpu.memref_slice %arg3[%dma_wait3A_141, %dma_wait3A_142] : memref<1000000x64xf32, #tpu.memory_space<hbm>> -> memref<1000000x64xf32, #tpu.memory_space<hbm>>
    tpu.wait_indirect_dma semaphore(%arg7 : memref<!tpu.dma_semaphore, #tpu.memory_space<semaphore_mem>>) src(%dma_wait3A_143 : memref<1000000x64xf32, #tpu.memory_space<hbm>>) dst(%dma_wait3A_137 : memref<128x64xf32, #tpu.memory_space<vmem>>)
    %add3A_144 = arith.constant 512 : i32
    %add3A_145 = arith.addi %mul3A_2, %add3A_144 : i32
    %run_scoped3A_146 = arith.constant 0 : i32
    "tpu.region"() ({
      %run_scoped3A_540 = tpu.sem_alloc : memref<!tpu.dma_semaphore, #tpu.memory_space<semaphore_mem>>
      %dma_start3A_541 = arith.constant 0 : i32
      %dma_start3A_542 = arith.constant 0 : i32
      %dma_start3A_543 = tpu.memref_slice %arg6[%run_scoped3A_146, %dma_start3A_541, %dma_start3A_542] : memref<2x128x64xf32, #tpu.memory_space<vmem>> -> memref<1x128x64xf32, #tpu.memory_space<vmem>>
      %dma_start3A_544 = tpu.memref_squeeze %dma_start3A_543 : memref<1x128x64xf32, #tpu.memory_space<vmem>> -> memref<128x64xf32, #tpu.memory_space<vmem>>
      %dma_start3A_545 = arith.constant 0 : i32
      %dma_start3A_546 = tpu.memref_slice %arg4[%add3A_145, %dma_start3A_545] : memref<81920x64xf32, #tpu.memory_space<hbm>> -> memref<128x64xf32, #tpu.memory_space<hbm>>
      %dma_start3A_547 = arith.constant 0 : i32
      %dma_start3A_548 = tpu.memref_slice %arg4[%add3A_145, %dma_start3A_547] : memref<81920x64xf32, #tpu.memory_space<hbm>> -> memref<128x64xf32, #tpu.memory_space<hbm>>
      %dma_start3A_549 = arith.constant 0 : i32
      %dma_start3A_550 = arith.constant 0 : i32
      %dma_start3A_551 = tpu.memref_slice %arg6[%run_scoped3A_146, %dma_start3A_549, %dma_start3A_550] : memref<2x128x64xf32, #tpu.memory_space<vmem>> -> memref<1x128x64xf32, #tpu.memory_space<vmem>>
      %dma_start3A_552 = tpu.memref_squeeze %dma_start3A_551 : memref<1x128x64xf32, #tpu.memory_space<vmem>> -> memref<128x64xf32, #tpu.memory_space<vmem>>
      tpu.enqueue_dma source(%dma_start3A_552 : memref<128x64xf32, #tpu.memory_space<vmem>>) target(%dma_start3A_548 : memref<128x64xf32, #tpu.memory_space<hbm>>) target_semaphore(%run_scoped3A_540 : memref<!tpu.dma_semaphore, #tpu.memory_space<semaphore_mem>>)
      %dma_wait3A_553 = arith.constant 0 : i32
      %dma_wait3A_554 = arith.constant 0 : i32
      %dma_wait3A_555 = tpu.memref_slice %arg6[%run_scoped3A_146, %dma_wait3A_553, %dma_wait3A_554] : memref<2x128x64xf32, #tpu.memory_space<vmem>> -> memref<1x128x64xf32, #tpu.memory_space<vmem>>
      %dma_wait3A_556 = tpu.memref_squeeze %dma_wait3A_555 : memref<1x128x64xf32, #tpu.memory_space<vmem>> -> memref<128x64xf32, #tpu.memory_space<vmem>>
      %dma_wait3A_557 = arith.constant 0 : i32
      %dma_wait3A_558 = tpu.memref_slice %arg4[%add3A_145, %dma_wait3A_557] : memref<81920x64xf32, #tpu.memory_space<hbm>> -> memref<128x64xf32, #tpu.memory_space<hbm>>
      %dma_wait3A_559 = arith.constant 0 : i32
      %dma_wait3A_560 = tpu.memref_slice %arg4[%add3A_145, %dma_wait3A_559] : memref<81920x64xf32, #tpu.memory_space<hbm>> -> memref<128x64xf32, #tpu.memory_space<hbm>>
      %dma_wait3A_561 = arith.constant 0 : i32
      %dma_wait3A_562 = arith.constant 0 : i32
      %dma_wait3A_563 = tpu.memref_slice %arg6[%run_scoped3A_146, %dma_wait3A_561, %dma_wait3A_562] : memref<2x128x64xf32, #tpu.memory_space<vmem>> -> memref<1x128x64xf32, #tpu.memory_space<vmem>>
      %dma_wait3A_564 = tpu.memref_squeeze %dma_wait3A_563 : memref<1x128x64xf32, #tpu.memory_space<vmem>> -> memref<128x64xf32, #tpu.memory_space<vmem>>
      tpu.wait_dma2 semaphore(%run_scoped3A_540 : memref<!tpu.dma_semaphore, #tpu.memory_space<semaphore_mem>>) src(%dma_wait3A_564 : memref<128x64xf32, #tpu.memory_space<vmem>>) dst(%dma_wait3A_560 : memref<128x64xf32, #tpu.memory_space<hbm>>)
      tpu.yield
    }) : () -> ()
    %dma_start3A_147 = arith.constant 6 : i32
    %dma_start3A_148 = arith.constant 0 : i32
    %dma_start3A_149 = arith.constant 0 : i32
    %dma_start3A_150 = arith.constant 0 : i32
    %dma_start3A_151 = tpu.memref_slice %arg6[%dma_start3A_148, %dma_start3A_149, %dma_start3A_150] : memref<2x128x64xf32, #tpu.memory_space<vmem>> -> memref<1x128x64xf32, #tpu.memory_space<vmem>>
    %dma_start3A_152 = tpu.memref_squeeze %dma_start3A_151 : memref<1x128x64xf32, #tpu.memory_space<vmem>> -> memref<128x64xf32, #tpu.memory_space<vmem>>
    %dma_start3A_153 = arith.constant 0 : i32
    %dma_start3A_154 = tpu.memref_slice %arg5[%dma_start3A_147, %dma_start3A_153] : memref<20x128xi32, #tpu.memory_space<vmem>> -> memref<1x128xi32, #tpu.memory_space<vmem>>
    %dma_start3A_155 = tpu.memref_squeeze %dma_start3A_154 : memref<1x128xi32, #tpu.memory_space<vmem>> -> memref<128xi32, #tpu.memory_space<vmem>>
    %dma_start3A_156 = arith.constant 0 : i32
    %dma_start3A_157 = arith.constant 0 : i32
    %dma_start3A_158 = tpu.memref_slice %arg3[%dma_start3A_156, %dma_start3A_157] : memref<1000000x64xf32, #tpu.memory_space<hbm>> -> memref<1000000x64xf32, #tpu.memory_space<hbm>>
    tpu.enqueue_indirect_dma source(%dma_start3A_158 : memref<1000000x64xf32, #tpu.memory_space<hbm>>) target(%dma_start3A_152 : memref<128x64xf32, #tpu.memory_space<vmem>>) offsets(%dma_start3A_155 : memref<128xi32, #tpu.memory_space<vmem>>) semaphore(%arg7 : memref<!tpu.dma_semaphore, #tpu.memory_space<semaphore_mem>>)
    %dma_wait3A_159 = arith.constant 5 : i32
    %dma_wait3A_160 = arith.constant 1 : i32
    %dma_wait3A_161 = arith.constant 0 : i32
    %dma_wait3A_162 = arith.constant 0 : i32
    %dma_wait3A_163 = tpu.memref_slice %arg6[%dma_wait3A_160, %dma_wait3A_161, %dma_wait3A_162] : memref<2x128x64xf32, #tpu.memory_space<vmem>> -> memref<1x128x64xf32, #tpu.memory_space<vmem>>
    %dma_wait3A_164 = tpu.memref_squeeze %dma_wait3A_163 : memref<1x128x64xf32, #tpu.memory_space<vmem>> -> memref<128x64xf32, #tpu.memory_space<vmem>>
    %dma_wait3A_165 = arith.constant 0 : i32
    %dma_wait3A_166 = tpu.memref_slice %arg5[%dma_wait3A_159, %dma_wait3A_165] : memref<20x128xi32, #tpu.memory_space<vmem>> -> memref<1x128xi32, #tpu.memory_space<vmem>>
    %dma_wait3A_167 = tpu.memref_squeeze %dma_wait3A_166 : memref<1x128xi32, #tpu.memory_space<vmem>> -> memref<128xi32, #tpu.memory_space<vmem>>
    %dma_wait3A_168 = arith.constant 0 : i32
    %dma_wait3A_169 = arith.constant 0 : i32
    %dma_wait3A_170 = tpu.memref_slice %arg3[%dma_wait3A_168, %dma_wait3A_169] : memref<1000000x64xf32, #tpu.memory_space<hbm>> -> memref<1000000x64xf32, #tpu.memory_space<hbm>>
    tpu.wait_indirect_dma semaphore(%arg8 : memref<!tpu.dma_semaphore, #tpu.memory_space<semaphore_mem>>) src(%dma_wait3A_170 : memref<1000000x64xf32, #tpu.memory_space<hbm>>) dst(%dma_wait3A_164 : memref<128x64xf32, #tpu.memory_space<vmem>>)
    %add3A_171 = arith.constant 640 : i32
    %add3A_172 = arith.addi %mul3A_2, %add3A_171 : i32
    %run_scoped3A_173 = arith.constant 1 : i32
    "tpu.region"() ({
      %run_scoped3A_540 = tpu.sem_alloc : memref<!tpu.dma_semaphore, #tpu.memory_space<semaphore_mem>>
      %dma_start3A_541 = arith.constant 0 : i32
      %dma_start3A_542 = arith.constant 0 : i32
      %dma_start3A_543 = tpu.memref_slice %arg6[%run_scoped3A_173, %dma_start3A_541, %dma_start3A_542] : memref<2x128x64xf32, #tpu.memory_space<vmem>> -> memref<1x128x64xf32, #tpu.memory_space<vmem>>
      %dma_start3A_544 = tpu.memref_squeeze %dma_start3A_543 : memref<1x128x64xf32, #tpu.memory_space<vmem>> -> memref<128x64xf32, #tpu.memory_space<vmem>>
      %dma_start3A_545 = arith.constant 0 : i32
      %dma_start3A_546 = tpu.memref_slice %arg4[%add3A_172, %dma_start3A_545] : memref<81920x64xf32, #tpu.memory_space<hbm>> -> memref<128x64xf32, #tpu.memory_space<hbm>>
      %dma_start3A_547 = arith.constant 0 : i32
      %dma_start3A_548 = tpu.memref_slice %arg4[%add3A_172, %dma_start3A_547] : memref<81920x64xf32, #tpu.memory_space<hbm>> -> memref<128x64xf32, #tpu.memory_space<hbm>>
      %dma_start3A_549 = arith.constant 0 : i32
      %dma_start3A_550 = arith.constant 0 : i32
      %dma_start3A_551 = tpu.memref_slice %arg6[%run_scoped3A_173, %dma_start3A_549, %dma_start3A_550] : memref<2x128x64xf32, #tpu.memory_space<vmem>> -> memref<1x128x64xf32, #tpu.memory_space<vmem>>
      %dma_start3A_552 = tpu.memref_squeeze %dma_start3A_551 : memref<1x128x64xf32, #tpu.memory_space<vmem>> -> memref<128x64xf32, #tpu.memory_space<vmem>>
      tpu.enqueue_dma source(%dma_start3A_552 : memref<128x64xf32, #tpu.memory_space<vmem>>) target(%dma_start3A_548 : memref<128x64xf32, #tpu.memory_space<hbm>>) target_semaphore(%run_scoped3A_540 : memref<!tpu.dma_semaphore, #tpu.memory_space<semaphore_mem>>)
      %dma_wait3A_553 = arith.constant 0 : i32
      %dma_wait3A_554 = arith.constant 0 : i32
      %dma_wait3A_555 = tpu.memref_slice %arg6[%run_scoped3A_173, %dma_wait3A_553, %dma_wait3A_554] : memref<2x128x64xf32, #tpu.memory_space<vmem>> -> memref<1x128x64xf32, #tpu.memory_space<vmem>>
      %dma_wait3A_556 = tpu.memref_squeeze %dma_wait3A_555 : memref<1x128x64xf32, #tpu.memory_space<vmem>> -> memref<128x64xf32, #tpu.memory_space<vmem>>
      %dma_wait3A_557 = arith.constant 0 : i32
      %dma_wait3A_558 = tpu.memref_slice %arg4[%add3A_172, %dma_wait3A_557] : memref<81920x64xf32, #tpu.memory_space<hbm>> -> memref<128x64xf32, #tpu.memory_space<hbm>>
      %dma_wait3A_559 = arith.constant 0 : i32
      %dma_wait3A_560 = tpu.memref_slice %arg4[%add3A_172, %dma_wait3A_559] : memref<81920x64xf32, #tpu.memory_space<hbm>> -> memref<128x64xf32, #tpu.memory_space<hbm>>
      %dma_wait3A_561 = arith.constant 0 : i32
      %dma_wait3A_562 = arith.constant 0 : i32
      %dma_wait3A_563 = tpu.memref_slice %arg6[%run_scoped3A_173, %dma_wait3A_561, %dma_wait3A_562] : memref<2x128x64xf32, #tpu.memory_space<vmem>> -> memref<1x128x64xf32, #tpu.memory_space<vmem>>
      %dma_wait3A_564 = tpu.memref_squeeze %dma_wait3A_563 : memref<1x128x64xf32, #tpu.memory_space<vmem>> -> memref<128x64xf32, #tpu.memory_space<vmem>>
      tpu.wait_dma2 semaphore(%run_scoped3A_540 : memref<!tpu.dma_semaphore, #tpu.memory_space<semaphore_mem>>) src(%dma_wait3A_564 : memref<128x64xf32, #tpu.memory_space<vmem>>) dst(%dma_wait3A_560 : memref<128x64xf32, #tpu.memory_space<hbm>>)
      tpu.yield
    }) : () -> ()
    %dma_start3A_174 = arith.constant 7 : i32
    %dma_start3A_175 = arith.constant 1 : i32
    %dma_start3A_176 = arith.constant 0 : i32
    %dma_start3A_177 = arith.constant 0 : i32
    %dma_start3A_178 = tpu.memref_slice %arg6[%dma_start3A_175, %dma_start3A_176, %dma_start3A_177] : memref<2x128x64xf32, #tpu.memory_space<vmem>> -> memref<1x128x64xf32, #tpu.memory_space<vmem>>
    %dma_start3A_179 = tpu.memref_squeeze %dma_start3A_178 : memref<1x128x64xf32, #tpu.memory_space<vmem>> -> memref<128x64xf32, #tpu.memory_space<vmem>>
    %dma_start3A_180 = arith.constant 0 : i32
    %dma_start3A_181 = tpu.memref_slice %arg5[%dma_start3A_174, %dma_start3A_180] : memref<20x128xi32, #tpu.memory_space<vmem>> -> memref<1x128xi32, #tpu.memory_space<vmem>>
    %dma_start3A_182 = tpu.memref_squeeze %dma_start3A_181 : memref<1x128xi32, #tpu.memory_space<vmem>> -> memref<128xi32, #tpu.memory_space<vmem>>
    %dma_start3A_183 = arith.constant 0 : i32
    %dma_start3A_184 = arith.constant 0 : i32
    %dma_start3A_185 = tpu.memref_slice %arg3[%dma_start3A_183, %dma_start3A_184] : memref<1000000x64xf32, #tpu.memory_space<hbm>> -> memref<1000000x64xf32, #tpu.memory_space<hbm>>
    tpu.enqueue_indirect_dma source(%dma_start3A_185 : memref<1000000x64xf32, #tpu.memory_space<hbm>>) target(%dma_start3A_179 : memref<128x64xf32, #tpu.memory_space<vmem>>) offsets(%dma_start3A_182 : memref<128xi32, #tpu.memory_space<vmem>>) semaphore(%arg8 : memref<!tpu.dma_semaphore, #tpu.memory_space<semaphore_mem>>)
    %dma_wait3A_186 = arith.constant 6 : i32
    %dma_wait3A_187 = arith.constant 0 : i32
    %dma_wait3A_188 = arith.constant 0 : i32
    %dma_wait3A_189 = arith.constant 0 : i32
    %dma_wait3A_190 = tpu.memref_slice %arg6[%dma_wait3A_187, %dma_wait3A_188, %dma_wait3A_189] : memref<2x128x64xf32, #tpu.memory_space<vmem>> -> memref<1x128x64xf32, #tpu.memory_space<vmem>>
    %dma_wait3A_191 = tpu.memref_squeeze %dma_wait3A_190 : memref<1x128x64xf32, #tpu.memory_space<vmem>> -> memref<128x64xf32, #tpu.memory_space<vmem>>
    %dma_wait3A_192 = arith.constant 0 : i32
    %dma_wait3A_193 = tpu.memref_slice %arg5[%dma_wait3A_186, %dma_wait3A_192] : memref<20x128xi32, #tpu.memory_space<vmem>> -> memref<1x128xi32, #tpu.memory_space<vmem>>
    %dma_wait3A_194 = tpu.memref_squeeze %dma_wait3A_193 : memref<1x128xi32, #tpu.memory_space<vmem>> -> memref<128xi32, #tpu.memory_space<vmem>>
    %dma_wait3A_195 = arith.constant 0 : i32
    %dma_wait3A_196 = arith.constant 0 : i32
    %dma_wait3A_197 = tpu.memref_slice %arg3[%dma_wait3A_195, %dma_wait3A_196] : memref<1000000x64xf32, #tpu.memory_space<hbm>> -> memref<1000000x64xf32, #tpu.memory_space<hbm>>
    tpu.wait_indirect_dma semaphore(%arg7 : memref<!tpu.dma_semaphore, #tpu.memory_space<semaphore_mem>>) src(%dma_wait3A_197 : memref<1000000x64xf32, #tpu.memory_space<hbm>>) dst(%dma_wait3A_191 : memref<128x64xf32, #tpu.memory_space<vmem>>)
    %add3A_198 = arith.constant 768 : i32
    %add3A_199 = arith.addi %mul3A_2, %add3A_198 : i32
    %run_scoped3A_200 = arith.constant 0 : i32
    "tpu.region"() ({
      %run_scoped3A_540 = tpu.sem_alloc : memref<!tpu.dma_semaphore, #tpu.memory_space<semaphore_mem>>
      %dma_start3A_541 = arith.constant 0 : i32
      %dma_start3A_542 = arith.constant 0 : i32
      %dma_start3A_543 = tpu.memref_slice %arg6[%run_scoped3A_200, %dma_start3A_541, %dma_start3A_542] : memref<2x128x64xf32, #tpu.memory_space<vmem>> -> memref<1x128x64xf32, #tpu.memory_space<vmem>>
      %dma_start3A_544 = tpu.memref_squeeze %dma_start3A_543 : memref<1x128x64xf32, #tpu.memory_space<vmem>> -> memref<128x64xf32, #tpu.memory_space<vmem>>
      %dma_start3A_545 = arith.constant 0 : i32
      %dma_start3A_546 = tpu.memref_slice %arg4[%add3A_199, %dma_start3A_545] : memref<81920x64xf32, #tpu.memory_space<hbm>> -> memref<128x64xf32, #tpu.memory_space<hbm>>
      %dma_start3A_547 = arith.constant 0 : i32
      %dma_start3A_548 = tpu.memref_slice %arg4[%add3A_199, %dma_start3A_547] : memref<81920x64xf32, #tpu.memory_space<hbm>> -> memref<128x64xf32, #tpu.memory_space<hbm>>
      %dma_start3A_549 = arith.constant 0 : i32
      %dma_start3A_550 = arith.constant 0 : i32
      %dma_start3A_551 = tpu.memref_slice %arg6[%run_scoped3A_200, %dma_start3A_549, %dma_start3A_550] : memref<2x128x64xf32, #tpu.memory_space<vmem>> -> memref<1x128x64xf32, #tpu.memory_space<vmem>>
      %dma_start3A_552 = tpu.memref_squeeze %dma_start3A_551 : memref<1x128x64xf32, #tpu.memory_space<vmem>> -> memref<128x64xf32, #tpu.memory_space<vmem>>
      tpu.enqueue_dma source(%dma_start3A_552 : memref<128x64xf32, #tpu.memory_space<vmem>>) target(%dma_start3A_548 : memref<128x64xf32, #tpu.memory_space<hbm>>) target_semaphore(%run_scoped3A_540 : memref<!tpu.dma_semaphore, #tpu.memory_space<semaphore_mem>>)
      %dma_wait3A_553 = arith.constant 0 : i32
      %dma_wait3A_554 = arith.constant 0 : i32
      %dma_wait3A_555 = tpu.memref_slice %arg6[%run_scoped3A_200, %dma_wait3A_553, %dma_wait3A_554] : memref<2x128x64xf32, #tpu.memory_space<vmem>> -> memref<1x128x64xf32, #tpu.memory_space<vmem>>
      %dma_wait3A_556 = tpu.memref_squeeze %dma_wait3A_555 : memref<1x128x64xf32, #tpu.memory_space<vmem>> -> memref<128x64xf32, #tpu.memory_space<vmem>>
      %dma_wait3A_557 = arith.constant 0 : i32
      %dma_wait3A_558 = tpu.memref_slice %arg4[%add3A_199, %dma_wait3A_557] : memref<81920x64xf32, #tpu.memory_space<hbm>> -> memref<128x64xf32, #tpu.memory_space<hbm>>
      %dma_wait3A_559 = arith.constant 0 : i32
      %dma_wait3A_560 = tpu.memref_slice %arg4[%add3A_199, %dma_wait3A_559] : memref<81920x64xf32, #tpu.memory_space<hbm>> -> memref<128x64xf32, #tpu.memory_space<hbm>>
      %dma_wait3A_561 = arith.constant 0 : i32
      %dma_wait3A_562 = arith.constant 0 : i32
      %dma_wait3A_563 = tpu.memref_slice %arg6[%run_scoped3A_200, %dma_wait3A_561, %dma_wait3A_562] : memref<2x128x64xf32, #tpu.memory_space<vmem>> -> memref<1x128x64xf32, #tpu.memory_space<vmem>>
      %dma_wait3A_564 = tpu.memref_squeeze %dma_wait3A_563 : memref<1x128x64xf32, #tpu.memory_space<vmem>> -> memref<128x64xf32, #tpu.memory_space<vmem>>
      tpu.wait_dma2 semaphore(%run_scoped3A_540 : memref<!tpu.dma_semaphore, #tpu.memory_space<semaphore_mem>>) src(%dma_wait3A_564 : memref<128x64xf32, #tpu.memory_space<vmem>>) dst(%dma_wait3A_560 : memref<128x64xf32, #tpu.memory_space<hbm>>)
      tpu.yield
    }) : () -> ()
    %dma_start3A_201 = arith.constant 8 : i32
    %dma_start3A_202 = arith.constant 0 : i32
    %dma_start3A_203 = arith.constant 0 : i32
    %dma_start3A_204 = arith.constant 0 : i32
    %dma_start3A_205 = tpu.memref_slice %arg6[%dma_start3A_202, %dma_start3A_203, %dma_start3A_204] : memref<2x128x64xf32, #tpu.memory_space<vmem>> -> memref<1x128x64xf32, #tpu.memory_space<vmem>>
    %dma_start3A_206 = tpu.memref_squeeze %dma_start3A_205 : memref<1x128x64xf32, #tpu.memory_space<vmem>> -> memref<128x64xf32, #tpu.memory_space<vmem>>
    %dma_start3A_207 = arith.constant 0 : i32
    %dma_start3A_208 = tpu.memref_slice %arg5[%dma_start3A_201, %dma_start3A_207] : memref<20x128xi32, #tpu.memory_space<vmem>> -> memref<1x128xi32, #tpu.memory_space<vmem>>
    %dma_start3A_209 = tpu.memref_squeeze %dma_start3A_208 : memref<1x128xi32, #tpu.memory_space<vmem>> -> memref<128xi32, #tpu.memory_space<vmem>>
    %dma_start3A_210 = arith.constant 0 : i32
    %dma_start3A_211 = arith.constant 0 : i32
    %dma_start3A_212 = tpu.memref_slice %arg3[%dma_start3A_210, %dma_start3A_211] : memref<1000000x64xf32, #tpu.memory_space<hbm>> -> memref<1000000x64xf32, #tpu.memory_space<hbm>>
    tpu.enqueue_indirect_dma source(%dma_start3A_212 : memref<1000000x64xf32, #tpu.memory_space<hbm>>) target(%dma_start3A_206 : memref<128x64xf32, #tpu.memory_space<vmem>>) offsets(%dma_start3A_209 : memref<128xi32, #tpu.memory_space<vmem>>) semaphore(%arg7 : memref<!tpu.dma_semaphore, #tpu.memory_space<semaphore_mem>>)
    %dma_wait3A_213 = arith.constant 7 : i32
    %dma_wait3A_214 = arith.constant 1 : i32
    %dma_wait3A_215 = arith.constant 0 : i32
    %dma_wait3A_216 = arith.constant 0 : i32
    %dma_wait3A_217 = tpu.memref_slice %arg6[%dma_wait3A_214, %dma_wait3A_215, %dma_wait3A_216] : memref<2x128x64xf32, #tpu.memory_space<vmem>> -> memref<1x128x64xf32, #tpu.memory_space<vmem>>
    %dma_wait3A_218 = tpu.memref_squeeze %dma_wait3A_217 : memref<1x128x64xf32, #tpu.memory_space<vmem>> -> memref<128x64xf32, #tpu.memory_space<vmem>>
    %dma_wait3A_219 = arith.constant 0 : i32
    %dma_wait3A_220 = tpu.memref_slice %arg5[%dma_wait3A_213, %dma_wait3A_219] : memref<20x128xi32, #tpu.memory_space<vmem>> -> memref<1x128xi32, #tpu.memory_space<vmem>>
    %dma_wait3A_221 = tpu.memref_squeeze %dma_wait3A_220 : memref<1x128xi32, #tpu.memory_space<vmem>> -> memref<128xi32, #tpu.memory_space<vmem>>
    %dma_wait3A_222 = arith.constant 0 : i32
    %dma_wait3A_223 = arith.constant 0 : i32
    %dma_wait3A_224 = tpu.memref_slice %arg3[%dma_wait3A_222, %dma_wait3A_223] : memref<1000000x64xf32, #tpu.memory_space<hbm>> -> memref<1000000x64xf32, #tpu.memory_space<hbm>>
    tpu.wait_indirect_dma semaphore(%arg8 : memref<!tpu.dma_semaphore, #tpu.memory_space<semaphore_mem>>) src(%dma_wait3A_224 : memref<1000000x64xf32, #tpu.memory_space<hbm>>) dst(%dma_wait3A_218 : memref<128x64xf32, #tpu.memory_space<vmem>>)
    %add3A_225 = arith.constant 896 : i32
    %add3A_226 = arith.addi %mul3A_2, %add3A_225 : i32
    %run_scoped3A_227 = arith.constant 1 : i32
    "tpu.region"() ({
      %run_scoped3A_540 = tpu.sem_alloc : memref<!tpu.dma_semaphore, #tpu.memory_space<semaphore_mem>>
      %dma_start3A_541 = arith.constant 0 : i32
      %dma_start3A_542 = arith.constant 0 : i32
      %dma_start3A_543 = tpu.memref_slice %arg6[%run_scoped3A_227, %dma_start3A_541, %dma_start3A_542] : memref<2x128x64xf32, #tpu.memory_space<vmem>> -> memref<1x128x64xf32, #tpu.memory_space<vmem>>
      %dma_start3A_544 = tpu.memref_squeeze %dma_start3A_543 : memref<1x128x64xf32, #tpu.memory_space<vmem>> -> memref<128x64xf32, #tpu.memory_space<vmem>>
      %dma_start3A_545 = arith.constant 0 : i32
      %dma_start3A_546 = tpu.memref_slice %arg4[%add3A_226, %dma_start3A_545] : memref<81920x64xf32, #tpu.memory_space<hbm>> -> memref<128x64xf32, #tpu.memory_space<hbm>>
      %dma_start3A_547 = arith.constant 0 : i32
      %dma_start3A_548 = tpu.memref_slice %arg4[%add3A_226, %dma_start3A_547] : memref<81920x64xf32, #tpu.memory_space<hbm>> -> memref<128x64xf32, #tpu.memory_space<hbm>>
      %dma_start3A_549 = arith.constant 0 : i32
      %dma_start3A_550 = arith.constant 0 : i32
      %dma_start3A_551 = tpu.memref_slice %arg6[%run_scoped3A_227, %dma_start3A_549, %dma_start3A_550] : memref<2x128x64xf32, #tpu.memory_space<vmem>> -> memref<1x128x64xf32, #tpu.memory_space<vmem>>
      %dma_start3A_552 = tpu.memref_squeeze %dma_start3A_551 : memref<1x128x64xf32, #tpu.memory_space<vmem>> -> memref<128x64xf32, #tpu.memory_space<vmem>>
      tpu.enqueue_dma source(%dma_start3A_552 : memref<128x64xf32, #tpu.memory_space<vmem>>) target(%dma_start3A_548 : memref<128x64xf32, #tpu.memory_space<hbm>>) target_semaphore(%run_scoped3A_540 : memref<!tpu.dma_semaphore, #tpu.memory_space<semaphore_mem>>)
      %dma_wait3A_553 = arith.constant 0 : i32
      %dma_wait3A_554 = arith.constant 0 : i32
      %dma_wait3A_555 = tpu.memref_slice %arg6[%run_scoped3A_227, %dma_wait3A_553, %dma_wait3A_554] : memref<2x128x64xf32, #tpu.memory_space<vmem>> -> memref<1x128x64xf32, #tpu.memory_space<vmem>>
      %dma_wait3A_556 = tpu.memref_squeeze %dma_wait3A_555 : memref<1x128x64xf32, #tpu.memory_space<vmem>> -> memref<128x64xf32, #tpu.memory_space<vmem>>
      %dma_wait3A_557 = arith.constant 0 : i32
      %dma_wait3A_558 = tpu.memref_slice %arg4[%add3A_226, %dma_wait3A_557] : memref<81920x64xf32, #tpu.memory_space<hbm>> -> memref<128x64xf32, #tpu.memory_space<hbm>>
      %dma_wait3A_559 = arith.constant 0 : i32
      %dma_wait3A_560 = tpu.memref_slice %arg4[%add3A_226, %dma_wait3A_559] : memref<81920x64xf32, #tpu.memory_space<hbm>> -> memref<128x64xf32, #tpu.memory_space<hbm>>
      %dma_wait3A_561 = arith.constant 0 : i32
      %dma_wait3A_562 = arith.constant 0 : i32
      %dma_wait3A_563 = tpu.memref_slice %arg6[%run_scoped3A_227, %dma_wait3A_561, %dma_wait3A_562] : memref<2x128x64xf32, #tpu.memory_space<vmem>> -> memref<1x128x64xf32, #tpu.memory_space<vmem>>
      %dma_wait3A_564 = tpu.memref_squeeze %dma_wait3A_563 : memref<1x128x64xf32, #tpu.memory_space<vmem>> -> memref<128x64xf32, #tpu.memory_space<vmem>>
      tpu.wait_dma2 semaphore(%run_scoped3A_540 : memref<!tpu.dma_semaphore, #tpu.memory_space<semaphore_mem>>) src(%dma_wait3A_564 : memref<128x64xf32, #tpu.memory_space<vmem>>) dst(%dma_wait3A_560 : memref<128x64xf32, #tpu.memory_space<hbm>>)
      tpu.yield
    }) : () -> ()
    %dma_start3A_228 = arith.constant 9 : i32
    %dma_start3A_229 = arith.constant 1 : i32
    %dma_start3A_230 = arith.constant 0 : i32
    %dma_start3A_231 = arith.constant 0 : i32
    %dma_start3A_232 = tpu.memref_slice %arg6[%dma_start3A_229, %dma_start3A_230, %dma_start3A_231] : memref<2x128x64xf32, #tpu.memory_space<vmem>> -> memref<1x128x64xf32, #tpu.memory_space<vmem>>
    %dma_start3A_233 = tpu.memref_squeeze %dma_start3A_232 : memref<1x128x64xf32, #tpu.memory_space<vmem>> -> memref<128x64xf32, #tpu.memory_space<vmem>>
    %dma_start3A_234 = arith.constant 0 : i32
    %dma_start3A_235 = tpu.memref_slice %arg5[%dma_start3A_228, %dma_start3A_234] : memref<20x128xi32, #tpu.memory_space<vmem>> -> memref<1x128xi32, #tpu.memory_space<vmem>>
    %dma_start3A_236 = tpu.memref_squeeze %dma_start3A_235 : memref<1x128xi32, #tpu.memory_space<vmem>> -> memref<128xi32, #tpu.memory_space<vmem>>
    %dma_start3A_237 = arith.constant 0 : i32
    %dma_start3A_238 = arith.constant 0 : i32
    %dma_start3A_239 = tpu.memref_slice %arg3[%dma_start3A_237, %dma_start3A_238] : memref<1000000x64xf32, #tpu.memory_space<hbm>> -> memref<1000000x64xf32, #tpu.memory_space<hbm>>
    tpu.enqueue_indirect_dma source(%dma_start3A_239 : memref<1000000x64xf32, #tpu.memory_space<hbm>>) target(%dma_start3A_233 : memref<128x64xf32, #tpu.memory_space<vmem>>) offsets(%dma_start3A_236 : memref<128xi32, #tpu.memory_space<vmem>>) semaphore(%arg8 : memref<!tpu.dma_semaphore, #tpu.memory_space<semaphore_mem>>)
    %dma_wait3A_240 = arith.constant 8 : i32
    %dma_wait3A_241 = arith.constant 0 : i32
    %dma_wait3A_242 = arith.constant 0 : i32
    %dma_wait3A_243 = arith.constant 0 : i32
    %dma_wait3A_244 = tpu.memref_slice %arg6[%dma_wait3A_241, %dma_wait3A_242, %dma_wait3A_243] : memref<2x128x64xf32, #tpu.memory_space<vmem>> -> memref<1x128x64xf32, #tpu.memory_space<vmem>>
    %dma_wait3A_245 = tpu.memref_squeeze %dma_wait3A_244 : memref<1x128x64xf32, #tpu.memory_space<vmem>> -> memref<128x64xf32, #tpu.memory_space<vmem>>
    %dma_wait3A_246 = arith.constant 0 : i32
    %dma_wait3A_247 = tpu.memref_slice %arg5[%dma_wait3A_240, %dma_wait3A_246] : memref<20x128xi32, #tpu.memory_space<vmem>> -> memref<1x128xi32, #tpu.memory_space<vmem>>
    %dma_wait3A_248 = tpu.memref_squeeze %dma_wait3A_247 : memref<1x128xi32, #tpu.memory_space<vmem>> -> memref<128xi32, #tpu.memory_space<vmem>>
    %dma_wait3A_249 = arith.constant 0 : i32
    %dma_wait3A_250 = arith.constant 0 : i32
    %dma_wait3A_251 = tpu.memref_slice %arg3[%dma_wait3A_249, %dma_wait3A_250] : memref<1000000x64xf32, #tpu.memory_space<hbm>> -> memref<1000000x64xf32, #tpu.memory_space<hbm>>
    tpu.wait_indirect_dma semaphore(%arg7 : memref<!tpu.dma_semaphore, #tpu.memory_space<semaphore_mem>>) src(%dma_wait3A_251 : memref<1000000x64xf32, #tpu.memory_space<hbm>>) dst(%dma_wait3A_245 : memref<128x64xf32, #tpu.memory_space<vmem>>)
    %add3A_252 = arith.constant 1024 : i32
    %add3A_253 = arith.addi %mul3A_2, %add3A_252 : i32
    %run_scoped3A_254 = arith.constant 0 : i32
    "tpu.region"() ({
      %run_scoped3A_540 = tpu.sem_alloc : memref<!tpu.dma_semaphore, #tpu.memory_space<semaphore_mem>>
      %dma_start3A_541 = arith.constant 0 : i32
      %dma_start3A_542 = arith.constant 0 : i32
      %dma_start3A_543 = tpu.memref_slice %arg6[%run_scoped3A_254, %dma_start3A_541, %dma_start3A_542] : memref<2x128x64xf32, #tpu.memory_space<vmem>> -> memref<1x128x64xf32, #tpu.memory_space<vmem>>
      %dma_start3A_544 = tpu.memref_squeeze %dma_start3A_543 : memref<1x128x64xf32, #tpu.memory_space<vmem>> -> memref<128x64xf32, #tpu.memory_space<vmem>>
      %dma_start3A_545 = arith.constant 0 : i32
      %dma_start3A_546 = tpu.memref_slice %arg4[%add3A_253, %dma_start3A_545] : memref<81920x64xf32, #tpu.memory_space<hbm>> -> memref<128x64xf32, #tpu.memory_space<hbm>>
      %dma_start3A_547 = arith.constant 0 : i32
      %dma_start3A_548 = tpu.memref_slice %arg4[%add3A_253, %dma_start3A_547] : memref<81920x64xf32, #tpu.memory_space<hbm>> -> memref<128x64xf32, #tpu.memory_space<hbm>>
      %dma_start3A_549 = arith.constant 0 : i32
      %dma_start3A_550 = arith.constant 0 : i32
      %dma_start3A_551 = tpu.memref_slice %arg6[%run_scoped3A_254, %dma_start3A_549, %dma_start3A_550] : memref<2x128x64xf32, #tpu.memory_space<vmem>> -> memref<1x128x64xf32, #tpu.memory_space<vmem>>
      %dma_start3A_552 = tpu.memref_squeeze %dma_start3A_551 : memref<1x128x64xf32, #tpu.memory_space<vmem>> -> memref<128x64xf32, #tpu.memory_space<vmem>>
      tpu.enqueue_dma source(%dma_start3A_552 : memref<128x64xf32, #tpu.memory_space<vmem>>) target(%dma_start3A_548 : memref<128x64xf32, #tpu.memory_space<hbm>>) target_semaphore(%run_scoped3A_540 : memref<!tpu.dma_semaphore, #tpu.memory_space<semaphore_mem>>)
      %dma_wait3A_553 = arith.constant 0 : i32
      %dma_wait3A_554 = arith.constant 0 : i32
      %dma_wait3A_555 = tpu.memref_slice %arg6[%run_scoped3A_254, %dma_wait3A_553, %dma_wait3A_554] : memref<2x128x64xf32, #tpu.memory_space<vmem>> -> memref<1x128x64xf32, #tpu.memory_space<vmem>>
      %dma_wait3A_556 = tpu.memref_squeeze %dma_wait3A_555 : memref<1x128x64xf32, #tpu.memory_space<vmem>> -> memref<128x64xf32, #tpu.memory_space<vmem>>
      %dma_wait3A_557 = arith.constant 0 : i32
      %dma_wait3A_558 = tpu.memref_slice %arg4[%add3A_253, %dma_wait3A_557] : memref<81920x64xf32, #tpu.memory_space<hbm>> -> memref<128x64xf32, #tpu.memory_space<hbm>>
      %dma_wait3A_559 = arith.constant 0 : i32
      %dma_wait3A_560 = tpu.memref_slice %arg4[%add3A_253, %dma_wait3A_559] : memref<81920x64xf32, #tpu.memory_space<hbm>> -> memref<128x64xf32, #tpu.memory_space<hbm>>
      %dma_wait3A_561 = arith.constant 0 : i32
      %dma_wait3A_562 = arith.constant 0 : i32
      %dma_wait3A_563 = tpu.memref_slice %arg6[%run_scoped3A_254, %dma_wait3A_561, %dma_wait3A_562] : memref<2x128x64xf32, #tpu.memory_space<vmem>> -> memref<1x128x64xf32, #tpu.memory_space<vmem>>
      %dma_wait3A_564 = tpu.memref_squeeze %dma_wait3A_563 : memref<1x128x64xf32, #tpu.memory_space<vmem>> -> memref<128x64xf32, #tpu.memory_space<vmem>>
      tpu.wait_dma2 semaphore(%run_scoped3A_540 : memref<!tpu.dma_semaphore, #tpu.memory_space<semaphore_mem>>) src(%dma_wait3A_564 : memref<128x64xf32, #tpu.memory_space<vmem>>) dst(%dma_wait3A_560 : memref<128x64xf32, #tpu.memory_space<hbm>>)
      tpu.yield
    }) : () -> ()
    %dma_start3A_255 = arith.constant 10 : i32
    %dma_start3A_256 = arith.constant 0 : i32
    %dma_start3A_257 = arith.constant 0 : i32
    %dma_start3A_258 = arith.constant 0 : i32
    %dma_start3A_259 = tpu.memref_slice %arg6[%dma_start3A_256, %dma_start3A_257, %dma_start3A_258] : memref<2x128x64xf32, #tpu.memory_space<vmem>> -> memref<1x128x64xf32, #tpu.memory_space<vmem>>
    %dma_start3A_260 = tpu.memref_squeeze %dma_start3A_259 : memref<1x128x64xf32, #tpu.memory_space<vmem>> -> memref<128x64xf32, #tpu.memory_space<vmem>>
    %dma_start3A_261 = arith.constant 0 : i32
    %dma_start3A_262 = tpu.memref_slice %arg5[%dma_start3A_255, %dma_start3A_261] : memref<20x128xi32, #tpu.memory_space<vmem>> -> memref<1x128xi32, #tpu.memory_space<vmem>>
    %dma_start3A_263 = tpu.memref_squeeze %dma_start3A_262 : memref<1x128xi32, #tpu.memory_space<vmem>> -> memref<128xi32, #tpu.memory_space<vmem>>
    %dma_start3A_264 = arith.constant 0 : i32
    %dma_start3A_265 = arith.constant 0 : i32
    %dma_start3A_266 = tpu.memref_slice %arg3[%dma_start3A_264, %dma_start3A_265] : memref<1000000x64xf32, #tpu.memory_space<hbm>> -> memref<1000000x64xf32, #tpu.memory_space<hbm>>
    tpu.enqueue_indirect_dma source(%dma_start3A_266 : memref<1000000x64xf32, #tpu.memory_space<hbm>>) target(%dma_start3A_260 : memref<128x64xf32, #tpu.memory_space<vmem>>) offsets(%dma_start3A_263 : memref<128xi32, #tpu.memory_space<vmem>>) semaphore(%arg7 : memref<!tpu.dma_semaphore, #tpu.memory_space<semaphore_mem>>)
    %dma_wait3A_267 = arith.constant 9 : i32
    %dma_wait3A_268 = arith.constant 1 : i32
    %dma_wait3A_269 = arith.constant 0 : i32
    %dma_wait3A_270 = arith.constant 0 : i32
    %dma_wait3A_271 = tpu.memref_slice %arg6[%dma_wait3A_268, %dma_wait3A_269, %dma_wait3A_270] : memref<2x128x64xf32, #tpu.memory_space<vmem>> -> memref<1x128x64xf32, #tpu.memory_space<vmem>>
    %dma_wait3A_272 = tpu.memref_squeeze %dma_wait3A_271 : memref<1x128x64xf32, #tpu.memory_space<vmem>> -> memref<128x64xf32, #tpu.memory_space<vmem>>
    %dma_wait3A_273 = arith.constant 0 : i32
    %dma_wait3A_274 = tpu.memref_slice %arg5[%dma_wait3A_267, %dma_wait3A_273] : memref<20x128xi32, #tpu.memory_space<vmem>> -> memref<1x128xi32, #tpu.memory_space<vmem>>
    %dma_wait3A_275 = tpu.memref_squeeze %dma_wait3A_274 : memref<1x128xi32, #tpu.memory_space<vmem>> -> memref<128xi32, #tpu.memory_space<vmem>>
    %dma_wait3A_276 = arith.constant 0 : i32
    %dma_wait3A_277 = arith.constant 0 : i32
    %dma_wait3A_278 = tpu.memref_slice %arg3[%dma_wait3A_276, %dma_wait3A_277] : memref<1000000x64xf32, #tpu.memory_space<hbm>> -> memref<1000000x64xf32, #tpu.memory_space<hbm>>
    tpu.wait_indirect_dma semaphore(%arg8 : memref<!tpu.dma_semaphore, #tpu.memory_space<semaphore_mem>>) src(%dma_wait3A_278 : memref<1000000x64xf32, #tpu.memory_space<hbm>>) dst(%dma_wait3A_272 : memref<128x64xf32, #tpu.memory_space<vmem>>)
    %add3A_279 = arith.constant 1152 : i32
    %add3A_280 = arith.addi %mul3A_2, %add3A_279 : i32
    %run_scoped3A_281 = arith.constant 1 : i32
    "tpu.region"() ({
      %run_scoped3A_540 = tpu.sem_alloc : memref<!tpu.dma_semaphore, #tpu.memory_space<semaphore_mem>>
      %dma_start3A_541 = arith.constant 0 : i32
      %dma_start3A_542 = arith.constant 0 : i32
      %dma_start3A_543 = tpu.memref_slice %arg6[%run_scoped3A_281, %dma_start3A_541, %dma_start3A_542] : memref<2x128x64xf32, #tpu.memory_space<vmem>> -> memref<1x128x64xf32, #tpu.memory_space<vmem>>
      %dma_start3A_544 = tpu.memref_squeeze %dma_start3A_543 : memref<1x128x64xf32, #tpu.memory_space<vmem>> -> memref<128x64xf32, #tpu.memory_space<vmem>>
      %dma_start3A_545 = arith.constant 0 : i32
      %dma_start3A_546 = tpu.memref_slice %arg4[%add3A_280, %dma_start3A_545] : memref<81920x64xf32, #tpu.memory_space<hbm>> -> memref<128x64xf32, #tpu.memory_space<hbm>>
      %dma_start3A_547 = arith.constant 0 : i32
      %dma_start3A_548 = tpu.memref_slice %arg4[%add3A_280, %dma_start3A_547] : memref<81920x64xf32, #tpu.memory_space<hbm>> -> memref<128x64xf32, #tpu.memory_space<hbm>>
      %dma_start3A_549 = arith.constant 0 : i32
      %dma_start3A_550 = arith.constant 0 : i32
      %dma_start3A_551 = tpu.memref_slice %arg6[%run_scoped3A_281, %dma_start3A_549, %dma_start3A_550] : memref<2x128x64xf32, #tpu.memory_space<vmem>> -> memref<1x128x64xf32, #tpu.memory_space<vmem>>
      %dma_start3A_552 = tpu.memref_squeeze %dma_start3A_551 : memref<1x128x64xf32, #tpu.memory_space<vmem>> -> memref<128x64xf32, #tpu.memory_space<vmem>>
      tpu.enqueue_dma source(%dma_start3A_552 : memref<128x64xf32, #tpu.memory_space<vmem>>) target(%dma_start3A_548 : memref<128x64xf32, #tpu.memory_space<hbm>>) target_semaphore(%run_scoped3A_540 : memref<!tpu.dma_semaphore, #tpu.memory_space<semaphore_mem>>)
      %dma_wait3A_553 = arith.constant 0 : i32
      %dma_wait3A_554 = arith.constant 0 : i32
      %dma_wait3A_555 = tpu.memref_slice %arg6[%run_scoped3A_281, %dma_wait3A_553, %dma_wait3A_554] : memref<2x128x64xf32, #tpu.memory_space<vmem>> -> memref<1x128x64xf32, #tpu.memory_space<vmem>>
      %dma_wait3A_556 = tpu.memref_squeeze %dma_wait3A_555 : memref<1x128x64xf32, #tpu.memory_space<vmem>> -> memref<128x64xf32, #tpu.memory_space<vmem>>
      %dma_wait3A_557 = arith.constant 0 : i32
      %dma_wait3A_558 = tpu.memref_slice %arg4[%add3A_280, %dma_wait3A_557] : memref<81920x64xf32, #tpu.memory_space<hbm>> -> memref<128x64xf32, #tpu.memory_space<hbm>>
      %dma_wait3A_559 = arith.constant 0 : i32
      %dma_wait3A_560 = tpu.memref_slice %arg4[%add3A_280, %dma_wait3A_559] : memref<81920x64xf32, #tpu.memory_space<hbm>> -> memref<128x64xf32, #tpu.memory_space<hbm>>
      %dma_wait3A_561 = arith.constant 0 : i32
      %dma_wait3A_562 = arith.constant 0 : i32
      %dma_wait3A_563 = tpu.memref_slice %arg6[%run_scoped3A_281, %dma_wait3A_561, %dma_wait3A_562] : memref<2x128x64xf32, #tpu.memory_space<vmem>> -> memref<1x128x64xf32, #tpu.memory_space<vmem>>
      %dma_wait3A_564 = tpu.memref_squeeze %dma_wait3A_563 : memref<1x128x64xf32, #tpu.memory_space<vmem>> -> memref<128x64xf32, #tpu.memory_space<vmem>>
      tpu.wait_dma2 semaphore(%run_scoped3A_540 : memref<!tpu.dma_semaphore, #tpu.memory_space<semaphore_mem>>) src(%dma_wait3A_564 : memref<128x64xf32, #tpu.memory_space<vmem>>) dst(%dma_wait3A_560 : memref<128x64xf32, #tpu.memory_space<hbm>>)
      tpu.yield
    }) : () -> ()
    %dma_start3A_282 = arith.constant 11 : i32
    %dma_start3A_283 = arith.constant 1 : i32
    %dma_start3A_284 = arith.constant 0 : i32
    %dma_start3A_285 = arith.constant 0 : i32
    %dma_start3A_286 = tpu.memref_slice %arg6[%dma_start3A_283, %dma_start3A_284, %dma_start3A_285] : memref<2x128x64xf32, #tpu.memory_space<vmem>> -> memref<1x128x64xf32, #tpu.memory_space<vmem>>
    %dma_start3A_287 = tpu.memref_squeeze %dma_start3A_286 : memref<1x128x64xf32, #tpu.memory_space<vmem>> -> memref<128x64xf32, #tpu.memory_space<vmem>>
    %dma_start3A_288 = arith.constant 0 : i32
    %dma_start3A_289 = tpu.memref_slice %arg5[%dma_start3A_282, %dma_start3A_288] : memref<20x128xi32, #tpu.memory_space<vmem>> -> memref<1x128xi32, #tpu.memory_space<vmem>>
    %dma_start3A_290 = tpu.memref_squeeze %dma_start3A_289 : memref<1x128xi32, #tpu.memory_space<vmem>> -> memref<128xi32, #tpu.memory_space<vmem>>
    %dma_start3A_291 = arith.constant 0 : i32
    %dma_start3A_292 = arith.constant 0 : i32
    %dma_start3A_293 = tpu.memref_slice %arg3[%dma_start3A_291, %dma_start3A_292] : memref<1000000x64xf32, #tpu.memory_space<hbm>> -> memref<1000000x64xf32, #tpu.memory_space<hbm>>
    tpu.enqueue_indirect_dma source(%dma_start3A_293 : memref<1000000x64xf32, #tpu.memory_space<hbm>>) target(%dma_start3A_287 : memref<128x64xf32, #tpu.memory_space<vmem>>) offsets(%dma_start3A_290 : memref<128xi32, #tpu.memory_space<vmem>>) semaphore(%arg8 : memref<!tpu.dma_semaphore, #tpu.memory_space<semaphore_mem>>)
    %dma_wait3A_294 = arith.constant 10 : i32
    %dma_wait3A_295 = arith.constant 0 : i32
    %dma_wait3A_296 = arith.constant 0 : i32
    %dma_wait3A_297 = arith.constant 0 : i32
    %dma_wait3A_298 = tpu.memref_slice %arg6[%dma_wait3A_295, %dma_wait3A_296, %dma_wait3A_297] : memref<2x128x64xf32, #tpu.memory_space<vmem>> -> memref<1x128x64xf32, #tpu.memory_space<vmem>>
    %dma_wait3A_299 = tpu.memref_squeeze %dma_wait3A_298 : memref<1x128x64xf32, #tpu.memory_space<vmem>> -> memref<128x64xf32, #tpu.memory_space<vmem>>
    %dma_wait3A_300 = arith.constant 0 : i32
    %dma_wait3A_301 = tpu.memref_slice %arg5[%dma_wait3A_294, %dma_wait3A_300] : memref<20x128xi32, #tpu.memory_space<vmem>> -> memref<1x128xi32, #tpu.memory_space<vmem>>
    %dma_wait3A_302 = tpu.memref_squeeze %dma_wait3A_301 : memref<1x128xi32, #tpu.memory_space<vmem>> -> memref<128xi32, #tpu.memory_space<vmem>>
    %dma_wait3A_303 = arith.constant 0 : i32
    %dma_wait3A_304 = arith.constant 0 : i32
    %dma_wait3A_305 = tpu.memref_slice %arg3[%dma_wait3A_303, %dma_wait3A_304] : memref<1000000x64xf32, #tpu.memory_space<hbm>> -> memref<1000000x64xf32, #tpu.memory_space<hbm>>
    tpu.wait_indirect_dma semaphore(%arg7 : memref<!tpu.dma_semaphore, #tpu.memory_space<semaphore_mem>>) src(%dma_wait3A_305 : memref<1000000x64xf32, #tpu.memory_space<hbm>>) dst(%dma_wait3A_299 : memref<128x64xf32, #tpu.memory_space<vmem>>)
    %add3A_306 = arith.constant 1280 : i32
    %add3A_307 = arith.addi %mul3A_2, %add3A_306 : i32
    %run_scoped3A_308 = arith.constant 0 : i32
    "tpu.region"() ({
      %run_scoped3A_540 = tpu.sem_alloc : memref<!tpu.dma_semaphore, #tpu.memory_space<semaphore_mem>>
      %dma_start3A_541 = arith.constant 0 : i32
      %dma_start3A_542 = arith.constant 0 : i32
      %dma_start3A_543 = tpu.memref_slice %arg6[%run_scoped3A_308, %dma_start3A_541, %dma_start3A_542] : memref<2x128x64xf32, #tpu.memory_space<vmem>> -> memref<1x128x64xf32, #tpu.memory_space<vmem>>
      %dma_start3A_544 = tpu.memref_squeeze %dma_start3A_543 : memref<1x128x64xf32, #tpu.memory_space<vmem>> -> memref<128x64xf32, #tpu.memory_space<vmem>>
      %dma_start3A_545 = arith.constant 0 : i32
      %dma_start3A_546 = tpu.memref_slice %arg4[%add3A_307, %dma_start3A_545] : memref<81920x64xf32, #tpu.memory_space<hbm>> -> memref<128x64xf32, #tpu.memory_space<hbm>>
      %dma_start3A_547 = arith.constant 0 : i32
      %dma_start3A_548 = tpu.memref_slice %arg4[%add3A_307, %dma_start3A_547] : memref<81920x64xf32, #tpu.memory_space<hbm>> -> memref<128x64xf32, #tpu.memory_space<hbm>>
      %dma_start3A_549 = arith.constant 0 : i32
      %dma_start3A_550 = arith.constant 0 : i32
      %dma_start3A_551 = tpu.memref_slice %arg6[%run_scoped3A_308, %dma_start3A_549, %dma_start3A_550] : memref<2x128x64xf32, #tpu.memory_space<vmem>> -> memref<1x128x64xf32, #tpu.memory_space<vmem>>
      %dma_start3A_552 = tpu.memref_squeeze %dma_start3A_551 : memref<1x128x64xf32, #tpu.memory_space<vmem>> -> memref<128x64xf32, #tpu.memory_space<vmem>>
      tpu.enqueue_dma source(%dma_start3A_552 : memref<128x64xf32, #tpu.memory_space<vmem>>) target(%dma_start3A_548 : memref<128x64xf32, #tpu.memory_space<hbm>>) target_semaphore(%run_scoped3A_540 : memref<!tpu.dma_semaphore, #tpu.memory_space<semaphore_mem>>)
      %dma_wait3A_553 = arith.constant 0 : i32
      %dma_wait3A_554 = arith.constant 0 : i32
      %dma_wait3A_555 = tpu.memref_slice %arg6[%run_scoped3A_308, %dma_wait3A_553, %dma_wait3A_554] : memref<2x128x64xf32, #tpu.memory_space<vmem>> -> memref<1x128x64xf32, #tpu.memory_space<vmem>>
      %dma_wait3A_556 = tpu.memref_squeeze %dma_wait3A_555 : memref<1x128x64xf32, #tpu.memory_space<vmem>> -> memref<128x64xf32, #tpu.memory_space<vmem>>
      %dma_wait3A_557 = arith.constant 0 : i32
      %dma_wait3A_558 = tpu.memref_slice %arg4[%add3A_307, %dma_wait3A_557] : memref<81920x64xf32, #tpu.memory_space<hbm>> -> memref<128x64xf32, #tpu.memory_space<hbm>>
      %dma_wait3A_559 = arith.constant 0 : i32
      %dma_wait3A_560 = tpu.memref_slice %arg4[%add3A_307, %dma_wait3A_559] : memref<81920x64xf32, #tpu.memory_space<hbm>> -> memref<128x64xf32, #tpu.memory_space<hbm>>
      %dma_wait3A_561 = arith.constant 0 : i32
      %dma_wait3A_562 = arith.constant 0 : i32
      %dma_wait3A_563 = tpu.memref_slice %arg6[%run_scoped3A_308, %dma_wait3A_561, %dma_wait3A_562] : memref<2x128x64xf32, #tpu.memory_space<vmem>> -> memref<1x128x64xf32, #tpu.memory_space<vmem>>
      %dma_wait3A_564 = tpu.memref_squeeze %dma_wait3A_563 : memref<1x128x64xf32, #tpu.memory_space<vmem>> -> memref<128x64xf32, #tpu.memory_space<vmem>>
      tpu.wait_dma2 semaphore(%run_scoped3A_540 : memref<!tpu.dma_semaphore, #tpu.memory_space<semaphore_mem>>) src(%dma_wait3A_564 : memref<128x64xf32, #tpu.memory_space<vmem>>) dst(%dma_wait3A_560 : memref<128x64xf32, #tpu.memory_space<hbm>>)
      tpu.yield
    }) : () -> ()
    %dma_start3A_309 = arith.constant 12 : i32
    %dma_start3A_310 = arith.constant 0 : i32
    %dma_start3A_311 = arith.constant 0 : i32
    %dma_start3A_312 = arith.constant 0 : i32
    %dma_start3A_313 = tpu.memref_slice %arg6[%dma_start3A_310, %dma_start3A_311, %dma_start3A_312] : memref<2x128x64xf32, #tpu.memory_space<vmem>> -> memref<1x128x64xf32, #tpu.memory_space<vmem>>
    %dma_start3A_314 = tpu.memref_squeeze %dma_start3A_313 : memref<1x128x64xf32, #tpu.memory_space<vmem>> -> memref<128x64xf32, #tpu.memory_space<vmem>>
    %dma_start3A_315 = arith.constant 0 : i32
    %dma_start3A_316 = tpu.memref_slice %arg5[%dma_start3A_309, %dma_start3A_315] : memref<20x128xi32, #tpu.memory_space<vmem>> -> memref<1x128xi32, #tpu.memory_space<vmem>>
    %dma_start3A_317 = tpu.memref_squeeze %dma_start3A_316 : memref<1x128xi32, #tpu.memory_space<vmem>> -> memref<128xi32, #tpu.memory_space<vmem>>
    %dma_start3A_318 = arith.constant 0 : i32
    %dma_start3A_319 = arith.constant 0 : i32
    %dma_start3A_320 = tpu.memref_slice %arg3[%dma_start3A_318, %dma_start3A_319] : memref<1000000x64xf32, #tpu.memory_space<hbm>> -> memref<1000000x64xf32, #tpu.memory_space<hbm>>
    tpu.enqueue_indirect_dma source(%dma_start3A_320 : memref<1000000x64xf32, #tpu.memory_space<hbm>>) target(%dma_start3A_314 : memref<128x64xf32, #tpu.memory_space<vmem>>) offsets(%dma_start3A_317 : memref<128xi32, #tpu.memory_space<vmem>>) semaphore(%arg7 : memref<!tpu.dma_semaphore, #tpu.memory_space<semaphore_mem>>)
    %dma_wait3A_321 = arith.constant 11 : i32
    %dma_wait3A_322 = arith.constant 1 : i32
    %dma_wait3A_323 = arith.constant 0 : i32
    %dma_wait3A_324 = arith.constant 0 : i32
    %dma_wait3A_325 = tpu.memref_slice %arg6[%dma_wait3A_322, %dma_wait3A_323, %dma_wait3A_324] : memref<2x128x64xf32, #tpu.memory_space<vmem>> -> memref<1x128x64xf32, #tpu.memory_space<vmem>>
    %dma_wait3A_326 = tpu.memref_squeeze %dma_wait3A_325 : memref<1x128x64xf32, #tpu.memory_space<vmem>> -> memref<128x64xf32, #tpu.memory_space<vmem>>
    %dma_wait3A_327 = arith.constant 0 : i32
    %dma_wait3A_328 = tpu.memref_slice %arg5[%dma_wait3A_321, %dma_wait3A_327] : memref<20x128xi32, #tpu.memory_space<vmem>> -> memref<1x128xi32, #tpu.memory_space<vmem>>
    %dma_wait3A_329 = tpu.memref_squeeze %dma_wait3A_328 : memref<1x128xi32, #tpu.memory_space<vmem>> -> memref<128xi32, #tpu.memory_space<vmem>>
    %dma_wait3A_330 = arith.constant 0 : i32
    %dma_wait3A_331 = arith.constant 0 : i32
    %dma_wait3A_332 = tpu.memref_slice %arg3[%dma_wait3A_330, %dma_wait3A_331] : memref<1000000x64xf32, #tpu.memory_space<hbm>> -> memref<1000000x64xf32, #tpu.memory_space<hbm>>
    tpu.wait_indirect_dma semaphore(%arg8 : memref<!tpu.dma_semaphore, #tpu.memory_space<semaphore_mem>>) src(%dma_wait3A_332 : memref<1000000x64xf32, #tpu.memory_space<hbm>>) dst(%dma_wait3A_326 : memref<128x64xf32, #tpu.memory_space<vmem>>)
    %add3A_333 = arith.constant 1408 : i32
    %add3A_334 = arith.addi %mul3A_2, %add3A_333 : i32
    %run_scoped3A_335 = arith.constant 1 : i32
    "tpu.region"() ({
      %run_scoped3A_540 = tpu.sem_alloc : memref<!tpu.dma_semaphore, #tpu.memory_space<semaphore_mem>>
      %dma_start3A_541 = arith.constant 0 : i32
      %dma_start3A_542 = arith.constant 0 : i32
      %dma_start3A_543 = tpu.memref_slice %arg6[%run_scoped3A_335, %dma_start3A_541, %dma_start3A_542] : memref<2x128x64xf32, #tpu.memory_space<vmem>> -> memref<1x128x64xf32, #tpu.memory_space<vmem>>
      %dma_start3A_544 = tpu.memref_squeeze %dma_start3A_543 : memref<1x128x64xf32, #tpu.memory_space<vmem>> -> memref<128x64xf32, #tpu.memory_space<vmem>>
      %dma_start3A_545 = arith.constant 0 : i32
      %dma_start3A_546 = tpu.memref_slice %arg4[%add3A_334, %dma_start3A_545] : memref<81920x64xf32, #tpu.memory_space<hbm>> -> memref<128x64xf32, #tpu.memory_space<hbm>>
      %dma_start3A_547 = arith.constant 0 : i32
      %dma_start3A_548 = tpu.memref_slice %arg4[%add3A_334, %dma_start3A_547] : memref<81920x64xf32, #tpu.memory_space<hbm>> -> memref<128x64xf32, #tpu.memory_space<hbm>>
      %dma_start3A_549 = arith.constant 0 : i32
      %dma_start3A_550 = arith.constant 0 : i32
      %dma_start3A_551 = tpu.memref_slice %arg6[%run_scoped3A_335, %dma_start3A_549, %dma_start3A_550] : memref<2x128x64xf32, #tpu.memory_space<vmem>> -> memref<1x128x64xf32, #tpu.memory_space<vmem>>
      %dma_start3A_552 = tpu.memref_squeeze %dma_start3A_551 : memref<1x128x64xf32, #tpu.memory_space<vmem>> -> memref<128x64xf32, #tpu.memory_space<vmem>>
      tpu.enqueue_dma source(%dma_start3A_552 : memref<128x64xf32, #tpu.memory_space<vmem>>) target(%dma_start3A_548 : memref<128x64xf32, #tpu.memory_space<hbm>>) target_semaphore(%run_scoped3A_540 : memref<!tpu.dma_semaphore, #tpu.memory_space<semaphore_mem>>)
      %dma_wait3A_553 = arith.constant 0 : i32
      %dma_wait3A_554 = arith.constant 0 : i32
      %dma_wait3A_555 = tpu.memref_slice %arg6[%run_scoped3A_335, %dma_wait3A_553, %dma_wait3A_554] : memref<2x128x64xf32, #tpu.memory_space<vmem>> -> memref<1x128x64xf32, #tpu.memory_space<vmem>>
      %dma_wait3A_556 = tpu.memref_squeeze %dma_wait3A_555 : memref<1x128x64xf32, #tpu.memory_space<vmem>> -> memref<128x64xf32, #tpu.memory_space<vmem>>
      %dma_wait3A_557 = arith.constant 0 : i32
      %dma_wait3A_558 = tpu.memref_slice %arg4[%add3A_334, %dma_wait3A_557] : memref<81920x64xf32, #tpu.memory_space<hbm>> -> memref<128x64xf32, #tpu.memory_space<hbm>>
      %dma_wait3A_559 = arith.constant 0 : i32
      %dma_wait3A_560 = tpu.memref_slice %arg4[%add3A_334, %dma_wait3A_559] : memref<81920x64xf32, #tpu.memory_space<hbm>> -> memref<128x64xf32, #tpu.memory_space<hbm>>
      %dma_wait3A_561 = arith.constant 0 : i32
      %dma_wait3A_562 = arith.constant 0 : i32
      %dma_wait3A_563 = tpu.memref_slice %arg6[%run_scoped3A_335, %dma_wait3A_561, %dma_wait3A_562] : memref<2x128x64xf32, #tpu.memory_space<vmem>> -> memref<1x128x64xf32, #tpu.memory_space<vmem>>
      %dma_wait3A_564 = tpu.memref_squeeze %dma_wait3A_563 : memref<1x128x64xf32, #tpu.memory_space<vmem>> -> memref<128x64xf32, #tpu.memory_space<vmem>>
      tpu.wait_dma2 semaphore(%run_scoped3A_540 : memref<!tpu.dma_semaphore, #tpu.memory_space<semaphore_mem>>) src(%dma_wait3A_564 : memref<128x64xf32, #tpu.memory_space<vmem>>) dst(%dma_wait3A_560 : memref<128x64xf32, #tpu.memory_space<hbm>>)
      tpu.yield
    }) : () -> ()
    %dma_start3A_336 = arith.constant 13 : i32
    %dma_start3A_337 = arith.constant 1 : i32
    %dma_start3A_338 = arith.constant 0 : i32
    %dma_start3A_339 = arith.constant 0 : i32
    %dma_start3A_340 = tpu.memref_slice %arg6[%dma_start3A_337, %dma_start3A_338, %dma_start3A_339] : memref<2x128x64xf32, #tpu.memory_space<vmem>> -> memref<1x128x64xf32, #tpu.memory_space<vmem>>
    %dma_start3A_341 = tpu.memref_squeeze %dma_start3A_340 : memref<1x128x64xf32, #tpu.memory_space<vmem>> -> memref<128x64xf32, #tpu.memory_space<vmem>>
    %dma_start3A_342 = arith.constant 0 : i32
    %dma_start3A_343 = tpu.memref_slice %arg5[%dma_start3A_336, %dma_start3A_342] : memref<20x128xi32, #tpu.memory_space<vmem>> -> memref<1x128xi32, #tpu.memory_space<vmem>>
    %dma_start3A_344 = tpu.memref_squeeze %dma_start3A_343 : memref<1x128xi32, #tpu.memory_space<vmem>> -> memref<128xi32, #tpu.memory_space<vmem>>
    %dma_start3A_345 = arith.constant 0 : i32
    %dma_start3A_346 = arith.constant 0 : i32
    %dma_start3A_347 = tpu.memref_slice %arg3[%dma_start3A_345, %dma_start3A_346] : memref<1000000x64xf32, #tpu.memory_space<hbm>> -> memref<1000000x64xf32, #tpu.memory_space<hbm>>
    tpu.enqueue_indirect_dma source(%dma_start3A_347 : memref<1000000x64xf32, #tpu.memory_space<hbm>>) target(%dma_start3A_341 : memref<128x64xf32, #tpu.memory_space<vmem>>) offsets(%dma_start3A_344 : memref<128xi32, #tpu.memory_space<vmem>>) semaphore(%arg8 : memref<!tpu.dma_semaphore, #tpu.memory_space<semaphore_mem>>)
    %dma_wait3A_348 = arith.constant 12 : i32
    %dma_wait3A_349 = arith.constant 0 : i32
    %dma_wait3A_350 = arith.constant 0 : i32
    %dma_wait3A_351 = arith.constant 0 : i32
    %dma_wait3A_352 = tpu.memref_slice %arg6[%dma_wait3A_349, %dma_wait3A_350, %dma_wait3A_351] : memref<2x128x64xf32, #tpu.memory_space<vmem>> -> memref<1x128x64xf32, #tpu.memory_space<vmem>>
    %dma_wait3A_353 = tpu.memref_squeeze %dma_wait3A_352 : memref<1x128x64xf32, #tpu.memory_space<vmem>> -> memref<128x64xf32, #tpu.memory_space<vmem>>
    %dma_wait3A_354 = arith.constant 0 : i32
    %dma_wait3A_355 = tpu.memref_slice %arg5[%dma_wait3A_348, %dma_wait3A_354] : memref<20x128xi32, #tpu.memory_space<vmem>> -> memref<1x128xi32, #tpu.memory_space<vmem>>
    %dma_wait3A_356 = tpu.memref_squeeze %dma_wait3A_355 : memref<1x128xi32, #tpu.memory_space<vmem>> -> memref<128xi32, #tpu.memory_space<vmem>>
    %dma_wait3A_357 = arith.constant 0 : i32
    %dma_wait3A_358 = arith.constant 0 : i32
    %dma_wait3A_359 = tpu.memref_slice %arg3[%dma_wait3A_357, %dma_wait3A_358] : memref<1000000x64xf32, #tpu.memory_space<hbm>> -> memref<1000000x64xf32, #tpu.memory_space<hbm>>
    tpu.wait_indirect_dma semaphore(%arg7 : memref<!tpu.dma_semaphore, #tpu.memory_space<semaphore_mem>>) src(%dma_wait3A_359 : memref<1000000x64xf32, #tpu.memory_space<hbm>>) dst(%dma_wait3A_353 : memref<128x64xf32, #tpu.memory_space<vmem>>)
    %add3A_360 = arith.constant 1536 : i32
    %add3A_361 = arith.addi %mul3A_2, %add3A_360 : i32
    %run_scoped3A_362 = arith.constant 0 : i32
    "tpu.region"() ({
      %run_scoped3A_540 = tpu.sem_alloc : memref<!tpu.dma_semaphore, #tpu.memory_space<semaphore_mem>>
      %dma_start3A_541 = arith.constant 0 : i32
      %dma_start3A_542 = arith.constant 0 : i32
      %dma_start3A_543 = tpu.memref_slice %arg6[%run_scoped3A_362, %dma_start3A_541, %dma_start3A_542] : memref<2x128x64xf32, #tpu.memory_space<vmem>> -> memref<1x128x64xf32, #tpu.memory_space<vmem>>
      %dma_start3A_544 = tpu.memref_squeeze %dma_start3A_543 : memref<1x128x64xf32, #tpu.memory_space<vmem>> -> memref<128x64xf32, #tpu.memory_space<vmem>>
      %dma_start3A_545 = arith.constant 0 : i32
      %dma_start3A_546 = tpu.memref_slice %arg4[%add3A_361, %dma_start3A_545] : memref<81920x64xf32, #tpu.memory_space<hbm>> -> memref<128x64xf32, #tpu.memory_space<hbm>>
      %dma_start3A_547 = arith.constant 0 : i32
      %dma_start3A_548 = tpu.memref_slice %arg4[%add3A_361, %dma_start3A_547] : memref<81920x64xf32, #tpu.memory_space<hbm>> -> memref<128x64xf32, #tpu.memory_space<hbm>>
      %dma_start3A_549 = arith.constant 0 : i32
      %dma_start3A_550 = arith.constant 0 : i32
      %dma_start3A_551 = tpu.memref_slice %arg6[%run_scoped3A_362, %dma_start3A_549, %dma_start3A_550] : memref<2x128x64xf32, #tpu.memory_space<vmem>> -> memref<1x128x64xf32, #tpu.memory_space<vmem>>
      %dma_start3A_552 = tpu.memref_squeeze %dma_start3A_551 : memref<1x128x64xf32, #tpu.memory_space<vmem>> -> memref<128x64xf32, #tpu.memory_space<vmem>>
      tpu.enqueue_dma source(%dma_start3A_552 : memref<128x64xf32, #tpu.memory_space<vmem>>) target(%dma_start3A_548 : memref<128x64xf32, #tpu.memory_space<hbm>>) target_semaphore(%run_scoped3A_540 : memref<!tpu.dma_semaphore, #tpu.memory_space<semaphore_mem>>)
      %dma_wait3A_553 = arith.constant 0 : i32
      %dma_wait3A_554 = arith.constant 0 : i32
      %dma_wait3A_555 = tpu.memref_slice %arg6[%run_scoped3A_362, %dma_wait3A_553, %dma_wait3A_554] : memref<2x128x64xf32, #tpu.memory_space<vmem>> -> memref<1x128x64xf32, #tpu.memory_space<vmem>>
      %dma_wait3A_556 = tpu.memref_squeeze %dma_wait3A_555 : memref<1x128x64xf32, #tpu.memory_space<vmem>> -> memref<128x64xf32, #tpu.memory_space<vmem>>
      %dma_wait3A_557 = arith.constant 0 : i32
      %dma_wait3A_558 = tpu.memref_slice %arg4[%add3A_361, %dma_wait3A_557] : memref<81920x64xf32, #tpu.memory_space<hbm>> -> memref<128x64xf32, #tpu.memory_space<hbm>>
      %dma_wait3A_559 = arith.constant 0 : i32
      %dma_wait3A_560 = tpu.memref_slice %arg4[%add3A_361, %dma_wait3A_559] : memref<81920x64xf32, #tpu.memory_space<hbm>> -> memref<128x64xf32, #tpu.memory_space<hbm>>
      %dma_wait3A_561 = arith.constant 0 : i32
      %dma_wait3A_562 = arith.constant 0 : i32
      %dma_wait3A_563 = tpu.memref_slice %arg6[%run_scoped3A_362, %dma_wait3A_561, %dma_wait3A_562] : memref<2x128x64xf32, #tpu.memory_space<vmem>> -> memref<1x128x64xf32, #tpu.memory_space<vmem>>
      %dma_wait3A_564 = tpu.memref_squeeze %dma_wait3A_563 : memref<1x128x64xf32, #tpu.memory_space<vmem>> -> memref<128x64xf32, #tpu.memory_space<vmem>>
      tpu.wait_dma2 semaphore(%run_scoped3A_540 : memref<!tpu.dma_semaphore, #tpu.memory_space<semaphore_mem>>) src(%dma_wait3A_564 : memref<128x64xf32, #tpu.memory_space<vmem>>) dst(%dma_wait3A_560 : memref<128x64xf32, #tpu.memory_space<hbm>>)
      tpu.yield
    }) : () -> ()
    %dma_start3A_363 = arith.constant 14 : i32
    %dma_start3A_364 = arith.constant 0 : i32
    %dma_start3A_365 = arith.constant 0 : i32
    %dma_start3A_366 = arith.constant 0 : i32
    %dma_start3A_367 = tpu.memref_slice %arg6[%dma_start3A_364, %dma_start3A_365, %dma_start3A_366] : memref<2x128x64xf32, #tpu.memory_space<vmem>> -> memref<1x128x64xf32, #tpu.memory_space<vmem>>
    %dma_start3A_368 = tpu.memref_squeeze %dma_start3A_367 : memref<1x128x64xf32, #tpu.memory_space<vmem>> -> memref<128x64xf32, #tpu.memory_space<vmem>>
    %dma_start3A_369 = arith.constant 0 : i32
    %dma_start3A_370 = tpu.memref_slice %arg5[%dma_start3A_363, %dma_start3A_369] : memref<20x128xi32, #tpu.memory_space<vmem>> -> memref<1x128xi32, #tpu.memory_space<vmem>>
    %dma_start3A_371 = tpu.memref_squeeze %dma_start3A_370 : memref<1x128xi32, #tpu.memory_space<vmem>> -> memref<128xi32, #tpu.memory_space<vmem>>
    %dma_start3A_372 = arith.constant 0 : i32
    %dma_start3A_373 = arith.constant 0 : i32
    %dma_start3A_374 = tpu.memref_slice %arg3[%dma_start3A_372, %dma_start3A_373] : memref<1000000x64xf32, #tpu.memory_space<hbm>> -> memref<1000000x64xf32, #tpu.memory_space<hbm>>
    tpu.enqueue_indirect_dma source(%dma_start3A_374 : memref<1000000x64xf32, #tpu.memory_space<hbm>>) target(%dma_start3A_368 : memref<128x64xf32, #tpu.memory_space<vmem>>) offsets(%dma_start3A_371 : memref<128xi32, #tpu.memory_space<vmem>>) semaphore(%arg7 : memref<!tpu.dma_semaphore, #tpu.memory_space<semaphore_mem>>)
    %dma_wait3A_375 = arith.constant 13 : i32
    %dma_wait3A_376 = arith.constant 1 : i32
    %dma_wait3A_377 = arith.constant 0 : i32
    %dma_wait3A_378 = arith.constant 0 : i32
    %dma_wait3A_379 = tpu.memref_slice %arg6[%dma_wait3A_376, %dma_wait3A_377, %dma_wait3A_378] : memref<2x128x64xf32, #tpu.memory_space<vmem>> -> memref<1x128x64xf32, #tpu.memory_space<vmem>>
    %dma_wait3A_380 = tpu.memref_squeeze %dma_wait3A_379 : memref<1x128x64xf32, #tpu.memory_space<vmem>> -> memref<128x64xf32, #tpu.memory_space<vmem>>
    %dma_wait3A_381 = arith.constant 0 : i32
    %dma_wait3A_382 = tpu.memref_slice %arg5[%dma_wait3A_375, %dma_wait3A_381] : memref<20x128xi32, #tpu.memory_space<vmem>> -> memref<1x128xi32, #tpu.memory_space<vmem>>
    %dma_wait3A_383 = tpu.memref_squeeze %dma_wait3A_382 : memref<1x128xi32, #tpu.memory_space<vmem>> -> memref<128xi32, #tpu.memory_space<vmem>>
    %dma_wait3A_384 = arith.constant 0 : i32
    %dma_wait3A_385 = arith.constant 0 : i32
    %dma_wait3A_386 = tpu.memref_slice %arg3[%dma_wait3A_384, %dma_wait3A_385] : memref<1000000x64xf32, #tpu.memory_space<hbm>> -> memref<1000000x64xf32, #tpu.memory_space<hbm>>
    tpu.wait_indirect_dma semaphore(%arg8 : memref<!tpu.dma_semaphore, #tpu.memory_space<semaphore_mem>>) src(%dma_wait3A_386 : memref<1000000x64xf32, #tpu.memory_space<hbm>>) dst(%dma_wait3A_380 : memref<128x64xf32, #tpu.memory_space<vmem>>)
    %add3A_387 = arith.constant 1664 : i32
    %add3A_388 = arith.addi %mul3A_2, %add3A_387 : i32
    %run_scoped3A_389 = arith.constant 1 : i32
    "tpu.region"() ({
      %run_scoped3A_540 = tpu.sem_alloc : memref<!tpu.dma_semaphore, #tpu.memory_space<semaphore_mem>>
      %dma_start3A_541 = arith.constant 0 : i32
      %dma_start3A_542 = arith.constant 0 : i32
      %dma_start3A_543 = tpu.memref_slice %arg6[%run_scoped3A_389, %dma_start3A_541, %dma_start3A_542] : memref<2x128x64xf32, #tpu.memory_space<vmem>> -> memref<1x128x64xf32, #tpu.memory_space<vmem>>
      %dma_start3A_544 = tpu.memref_squeeze %dma_start3A_543 : memref<1x128x64xf32, #tpu.memory_space<vmem>> -> memref<128x64xf32, #tpu.memory_space<vmem>>
      %dma_start3A_545 = arith.constant 0 : i32
      %dma_start3A_546 = tpu.memref_slice %arg4[%add3A_388, %dma_start3A_545] : memref<81920x64xf32, #tpu.memory_space<hbm>> -> memref<128x64xf32, #tpu.memory_space<hbm>>
      %dma_start3A_547 = arith.constant 0 : i32
      %dma_start3A_548 = tpu.memref_slice %arg4[%add3A_388, %dma_start3A_547] : memref<81920x64xf32, #tpu.memory_space<hbm>> -> memref<128x64xf32, #tpu.memory_space<hbm>>
      %dma_start3A_549 = arith.constant 0 : i32
      %dma_start3A_550 = arith.constant 0 : i32
      %dma_start3A_551 = tpu.memref_slice %arg6[%run_scoped3A_389, %dma_start3A_549, %dma_start3A_550] : memref<2x128x64xf32, #tpu.memory_space<vmem>> -> memref<1x128x64xf32, #tpu.memory_space<vmem>>
      %dma_start3A_552 = tpu.memref_squeeze %dma_start3A_551 : memref<1x128x64xf32, #tpu.memory_space<vmem>> -> memref<128x64xf32, #tpu.memory_space<vmem>>
      tpu.enqueue_dma source(%dma_start3A_552 : memref<128x64xf32, #tpu.memory_space<vmem>>) target(%dma_start3A_548 : memref<128x64xf32, #tpu.memory_space<hbm>>) target_semaphore(%run_scoped3A_540 : memref<!tpu.dma_semaphore, #tpu.memory_space<semaphore_mem>>)
      %dma_wait3A_553 = arith.constant 0 : i32
      %dma_wait3A_554 = arith.constant 0 : i32
      %dma_wait3A_555 = tpu.memref_slice %arg6[%run_scoped3A_389, %dma_wait3A_553, %dma_wait3A_554] : memref<2x128x64xf32, #tpu.memory_space<vmem>> -> memref<1x128x64xf32, #tpu.memory_space<vmem>>
      %dma_wait3A_556 = tpu.memref_squeeze %dma_wait3A_555 : memref<1x128x64xf32, #tpu.memory_space<vmem>> -> memref<128x64xf32, #tpu.memory_space<vmem>>
      %dma_wait3A_557 = arith.constant 0 : i32
      %dma_wait3A_558 = tpu.memref_slice %arg4[%add3A_388, %dma_wait3A_557] : memref<81920x64xf32, #tpu.memory_space<hbm>> -> memref<128x64xf32, #tpu.memory_space<hbm>>
      %dma_wait3A_559 = arith.constant 0 : i32
      %dma_wait3A_560 = tpu.memref_slice %arg4[%add3A_388, %dma_wait3A_559] : memref<81920x64xf32, #tpu.memory_space<hbm>> -> memref<128x64xf32, #tpu.memory_space<hbm>>
      %dma_wait3A_561 = arith.constant 0 : i32
      %dma_wait3A_562 = arith.constant 0 : i32
      %dma_wait3A_563 = tpu.memref_slice %arg6[%run_scoped3A_389, %dma_wait3A_561, %dma_wait3A_562] : memref<2x128x64xf32, #tpu.memory_space<vmem>> -> memref<1x128x64xf32, #tpu.memory_space<vmem>>
      %dma_wait3A_564 = tpu.memref_squeeze %dma_wait3A_563 : memref<1x128x64xf32, #tpu.memory_space<vmem>> -> memref<128x64xf32, #tpu.memory_space<vmem>>
      tpu.wait_dma2 semaphore(%run_scoped3A_540 : memref<!tpu.dma_semaphore, #tpu.memory_space<semaphore_mem>>) src(%dma_wait3A_564 : memref<128x64xf32, #tpu.memory_space<vmem>>) dst(%dma_wait3A_560 : memref<128x64xf32, #tpu.memory_space<hbm>>)
      tpu.yield
    }) : () -> ()
    %dma_start3A_390 = arith.constant 15 : i32
    %dma_start3A_391 = arith.constant 1 : i32
    %dma_start3A_392 = arith.constant 0 : i32
    %dma_start3A_393 = arith.constant 0 : i32
    %dma_start3A_394 = tpu.memref_slice %arg6[%dma_start3A_391, %dma_start3A_392, %dma_start3A_393] : memref<2x128x64xf32, #tpu.memory_space<vmem>> -> memref<1x128x64xf32, #tpu.memory_space<vmem>>
    %dma_start3A_395 = tpu.memref_squeeze %dma_start3A_394 : memref<1x128x64xf32, #tpu.memory_space<vmem>> -> memref<128x64xf32, #tpu.memory_space<vmem>>
    %dma_start3A_396 = arith.constant 0 : i32
    %dma_start3A_397 = tpu.memref_slice %arg5[%dma_start3A_390, %dma_start3A_396] : memref<20x128xi32, #tpu.memory_space<vmem>> -> memref<1x128xi32, #tpu.memory_space<vmem>>
    %dma_start3A_398 = tpu.memref_squeeze %dma_start3A_397 : memref<1x128xi32, #tpu.memory_space<vmem>> -> memref<128xi32, #tpu.memory_space<vmem>>
    %dma_start3A_399 = arith.constant 0 : i32
    %dma_start3A_400 = arith.constant 0 : i32
    %dma_start3A_401 = tpu.memref_slice %arg3[%dma_start3A_399, %dma_start3A_400] : memref<1000000x64xf32, #tpu.memory_space<hbm>> -> memref<1000000x64xf32, #tpu.memory_space<hbm>>
    tpu.enqueue_indirect_dma source(%dma_start3A_401 : memref<1000000x64xf32, #tpu.memory_space<hbm>>) target(%dma_start3A_395 : memref<128x64xf32, #tpu.memory_space<vmem>>) offsets(%dma_start3A_398 : memref<128xi32, #tpu.memory_space<vmem>>) semaphore(%arg8 : memref<!tpu.dma_semaphore, #tpu.memory_space<semaphore_mem>>)
    %dma_wait3A_402 = arith.constant 14 : i32
    %dma_wait3A_403 = arith.constant 0 : i32
    %dma_wait3A_404 = arith.constant 0 : i32
    %dma_wait3A_405 = arith.constant 0 : i32
    %dma_wait3A_406 = tpu.memref_slice %arg6[%dma_wait3A_403, %dma_wait3A_404, %dma_wait3A_405] : memref<2x128x64xf32, #tpu.memory_space<vmem>> -> memref<1x128x64xf32, #tpu.memory_space<vmem>>
    %dma_wait3A_407 = tpu.memref_squeeze %dma_wait3A_406 : memref<1x128x64xf32, #tpu.memory_space<vmem>> -> memref<128x64xf32, #tpu.memory_space<vmem>>
    %dma_wait3A_408 = arith.constant 0 : i32
    %dma_wait3A_409 = tpu.memref_slice %arg5[%dma_wait3A_402, %dma_wait3A_408] : memref<20x128xi32, #tpu.memory_space<vmem>> -> memref<1x128xi32, #tpu.memory_space<vmem>>
    %dma_wait3A_410 = tpu.memref_squeeze %dma_wait3A_409 : memref<1x128xi32, #tpu.memory_space<vmem>> -> memref<128xi32, #tpu.memory_space<vmem>>
    %dma_wait3A_411 = arith.constant 0 : i32
    %dma_wait3A_412 = arith.constant 0 : i32
    %dma_wait3A_413 = tpu.memref_slice %arg3[%dma_wait3A_411, %dma_wait3A_412] : memref<1000000x64xf32, #tpu.memory_space<hbm>> -> memref<1000000x64xf32, #tpu.memory_space<hbm>>
    tpu.wait_indirect_dma semaphore(%arg7 : memref<!tpu.dma_semaphore, #tpu.memory_space<semaphore_mem>>) src(%dma_wait3A_413 : memref<1000000x64xf32, #tpu.memory_space<hbm>>) dst(%dma_wait3A_407 : memref<128x64xf32, #tpu.memory_space<vmem>>)
    %add3A_414 = arith.constant 1792 : i32
    %add3A_415 = arith.addi %mul3A_2, %add3A_414 : i32
    %run_scoped3A_416 = arith.constant 0 : i32
    "tpu.region"() ({
      %run_scoped3A_540 = tpu.sem_alloc : memref<!tpu.dma_semaphore, #tpu.memory_space<semaphore_mem>>
      %dma_start3A_541 = arith.constant 0 : i32
      %dma_start3A_542 = arith.constant 0 : i32
      %dma_start3A_543 = tpu.memref_slice %arg6[%run_scoped3A_416, %dma_start3A_541, %dma_start3A_542] : memref<2x128x64xf32, #tpu.memory_space<vmem>> -> memref<1x128x64xf32, #tpu.memory_space<vmem>>
      %dma_start3A_544 = tpu.memref_squeeze %dma_start3A_543 : memref<1x128x64xf32, #tpu.memory_space<vmem>> -> memref<128x64xf32, #tpu.memory_space<vmem>>
      %dma_start3A_545 = arith.constant 0 : i32
      %dma_start3A_546 = tpu.memref_slice %arg4[%add3A_415, %dma_start3A_545] : memref<81920x64xf32, #tpu.memory_space<hbm>> -> memref<128x64xf32, #tpu.memory_space<hbm>>
      %dma_start3A_547 = arith.constant 0 : i32
      %dma_start3A_548 = tpu.memref_slice %arg4[%add3A_415, %dma_start3A_547] : memref<81920x64xf32, #tpu.memory_space<hbm>> -> memref<128x64xf32, #tpu.memory_space<hbm>>
      %dma_start3A_549 = arith.constant 0 : i32
      %dma_start3A_550 = arith.constant 0 : i32
      %dma_start3A_551 = tpu.memref_slice %arg6[%run_scoped3A_416, %dma_start3A_549, %dma_start3A_550] : memref<2x128x64xf32, #tpu.memory_space<vmem>> -> memref<1x128x64xf32, #tpu.memory_space<vmem>>
      %dma_start3A_552 = tpu.memref_squeeze %dma_start3A_551 : memref<1x128x64xf32, #tpu.memory_space<vmem>> -> memref<128x64xf32, #tpu.memory_space<vmem>>
      tpu.enqueue_dma source(%dma_start3A_552 : memref<128x64xf32, #tpu.memory_space<vmem>>) target(%dma_start3A_548 : memref<128x64xf32, #tpu.memory_space<hbm>>) target_semaphore(%run_scoped3A_540 : memref<!tpu.dma_semaphore, #tpu.memory_space<semaphore_mem>>)
      %dma_wait3A_553 = arith.constant 0 : i32
      %dma_wait3A_554 = arith.constant 0 : i32
      %dma_wait3A_555 = tpu.memref_slice %arg6[%run_scoped3A_416, %dma_wait3A_553, %dma_wait3A_554] : memref<2x128x64xf32, #tpu.memory_space<vmem>> -> memref<1x128x64xf32, #tpu.memory_space<vmem>>
      %dma_wait3A_556 = tpu.memref_squeeze %dma_wait3A_555 : memref<1x128x64xf32, #tpu.memory_space<vmem>> -> memref<128x64xf32, #tpu.memory_space<vmem>>
      %dma_wait3A_557 = arith.constant 0 : i32
      %dma_wait3A_558 = tpu.memref_slice %arg4[%add3A_415, %dma_wait3A_557] : memref<81920x64xf32, #tpu.memory_space<hbm>> -> memref<128x64xf32, #tpu.memory_space<hbm>>
      %dma_wait3A_559 = arith.constant 0 : i32
      %dma_wait3A_560 = tpu.memref_slice %arg4[%add3A_415, %dma_wait3A_559] : memref<81920x64xf32, #tpu.memory_space<hbm>> -> memref<128x64xf32, #tpu.memory_space<hbm>>
      %dma_wait3A_561 = arith.constant 0 : i32
      %dma_wait3A_562 = arith.constant 0 : i32
      %dma_wait3A_563 = tpu.memref_slice %arg6[%run_scoped3A_416, %dma_wait3A_561, %dma_wait3A_562] : memref<2x128x64xf32, #tpu.memory_space<vmem>> -> memref<1x128x64xf32, #tpu.memory_space<vmem>>
      %dma_wait3A_564 = tpu.memref_squeeze %dma_wait3A_563 : memref<1x128x64xf32, #tpu.memory_space<vmem>> -> memref<128x64xf32, #tpu.memory_space<vmem>>
      tpu.wait_dma2 semaphore(%run_scoped3A_540 : memref<!tpu.dma_semaphore, #tpu.memory_space<semaphore_mem>>) src(%dma_wait3A_564 : memref<128x64xf32, #tpu.memory_space<vmem>>) dst(%dma_wait3A_560 : memref<128x64xf32, #tpu.memory_space<hbm>>)
      tpu.yield
    }) : () -> ()
    %dma_start3A_417 = arith.constant 16 : i32
    %dma_start3A_418 = arith.constant 0 : i32
    %dma_start3A_419 = arith.constant 0 : i32
    %dma_start3A_420 = arith.constant 0 : i32
    %dma_start3A_421 = tpu.memref_slice %arg6[%dma_start3A_418, %dma_start3A_419, %dma_start3A_420] : memref<2x128x64xf32, #tpu.memory_space<vmem>> -> memref<1x128x64xf32, #tpu.memory_space<vmem>>
    %dma_start3A_422 = tpu.memref_squeeze %dma_start3A_421 : memref<1x128x64xf32, #tpu.memory_space<vmem>> -> memref<128x64xf32, #tpu.memory_space<vmem>>
    %dma_start3A_423 = arith.constant 0 : i32
    %dma_start3A_424 = tpu.memref_slice %arg5[%dma_start3A_417, %dma_start3A_423] : memref<20x128xi32, #tpu.memory_space<vmem>> -> memref<1x128xi32, #tpu.memory_space<vmem>>
    %dma_start3A_425 = tpu.memref_squeeze %dma_start3A_424 : memref<1x128xi32, #tpu.memory_space<vmem>> -> memref<128xi32, #tpu.memory_space<vmem>>
    %dma_start3A_426 = arith.constant 0 : i32
    %dma_start3A_427 = arith.constant 0 : i32
    %dma_start3A_428 = tpu.memref_slice %arg3[%dma_start3A_426, %dma_start3A_427] : memref<1000000x64xf32, #tpu.memory_space<hbm>> -> memref<1000000x64xf32, #tpu.memory_space<hbm>>
    tpu.enqueue_indirect_dma source(%dma_start3A_428 : memref<1000000x64xf32, #tpu.memory_space<hbm>>) target(%dma_start3A_422 : memref<128x64xf32, #tpu.memory_space<vmem>>) offsets(%dma_start3A_425 : memref<128xi32, #tpu.memory_space<vmem>>) semaphore(%arg7 : memref<!tpu.dma_semaphore, #tpu.memory_space<semaphore_mem>>)
    %dma_wait3A_429 = arith.constant 15 : i32
    %dma_wait3A_430 = arith.constant 1 : i32
    %dma_wait3A_431 = arith.constant 0 : i32
    %dma_wait3A_432 = arith.constant 0 : i32
    %dma_wait3A_433 = tpu.memref_slice %arg6[%dma_wait3A_430, %dma_wait3A_431, %dma_wait3A_432] : memref<2x128x64xf32, #tpu.memory_space<vmem>> -> memref<1x128x64xf32, #tpu.memory_space<vmem>>
    %dma_wait3A_434 = tpu.memref_squeeze %dma_wait3A_433 : memref<1x128x64xf32, #tpu.memory_space<vmem>> -> memref<128x64xf32, #tpu.memory_space<vmem>>
    %dma_wait3A_435 = arith.constant 0 : i32
    %dma_wait3A_436 = tpu.memref_slice %arg5[%dma_wait3A_429, %dma_wait3A_435] : memref<20x128xi32, #tpu.memory_space<vmem>> -> memref<1x128xi32, #tpu.memory_space<vmem>>
    %dma_wait3A_437 = tpu.memref_squeeze %dma_wait3A_436 : memref<1x128xi32, #tpu.memory_space<vmem>> -> memref<128xi32, #tpu.memory_space<vmem>>
    %dma_wait3A_438 = arith.constant 0 : i32
    %dma_wait3A_439 = arith.constant 0 : i32
    %dma_wait3A_440 = tpu.memref_slice %arg3[%dma_wait3A_438, %dma_wait3A_439] : memref<1000000x64xf32, #tpu.memory_space<hbm>> -> memref<1000000x64xf32, #tpu.memory_space<hbm>>
    tpu.wait_indirect_dma semaphore(%arg8 : memref<!tpu.dma_semaphore, #tpu.memory_space<semaphore_mem>>) src(%dma_wait3A_440 : memref<1000000x64xf32, #tpu.memory_space<hbm>>) dst(%dma_wait3A_434 : memref<128x64xf32, #tpu.memory_space<vmem>>)
    %add3A_441 = arith.constant 1920 : i32
    %add3A_442 = arith.addi %mul3A_2, %add3A_441 : i32
    %run_scoped3A_443 = arith.constant 1 : i32
    "tpu.region"() ({
      %run_scoped3A_540 = tpu.sem_alloc : memref<!tpu.dma_semaphore, #tpu.memory_space<semaphore_mem>>
      %dma_start3A_541 = arith.constant 0 : i32
      %dma_start3A_542 = arith.constant 0 : i32
      %dma_start3A_543 = tpu.memref_slice %arg6[%run_scoped3A_443, %dma_start3A_541, %dma_start3A_542] : memref<2x128x64xf32, #tpu.memory_space<vmem>> -> memref<1x128x64xf32, #tpu.memory_space<vmem>>
      %dma_start3A_544 = tpu.memref_squeeze %dma_start3A_543 : memref<1x128x64xf32, #tpu.memory_space<vmem>> -> memref<128x64xf32, #tpu.memory_space<vmem>>
      %dma_start3A_545 = arith.constant 0 : i32
      %dma_start3A_546 = tpu.memref_slice %arg4[%add3A_442, %dma_start3A_545] : memref<81920x64xf32, #tpu.memory_space<hbm>> -> memref<128x64xf32, #tpu.memory_space<hbm>>
      %dma_start3A_547 = arith.constant 0 : i32
      %dma_start3A_548 = tpu.memref_slice %arg4[%add3A_442, %dma_start3A_547] : memref<81920x64xf32, #tpu.memory_space<hbm>> -> memref<128x64xf32, #tpu.memory_space<hbm>>
      %dma_start3A_549 = arith.constant 0 : i32
      %dma_start3A_550 = arith.constant 0 : i32
      %dma_start3A_551 = tpu.memref_slice %arg6[%run_scoped3A_443, %dma_start3A_549, %dma_start3A_550] : memref<2x128x64xf32, #tpu.memory_space<vmem>> -> memref<1x128x64xf32, #tpu.memory_space<vmem>>
      %dma_start3A_552 = tpu.memref_squeeze %dma_start3A_551 : memref<1x128x64xf32, #tpu.memory_space<vmem>> -> memref<128x64xf32, #tpu.memory_space<vmem>>
      tpu.enqueue_dma source(%dma_start3A_552 : memref<128x64xf32, #tpu.memory_space<vmem>>) target(%dma_start3A_548 : memref<128x64xf32, #tpu.memory_space<hbm>>) target_semaphore(%run_scoped3A_540 : memref<!tpu.dma_semaphore, #tpu.memory_space<semaphore_mem>>)
      %dma_wait3A_553 = arith.constant 0 : i32
      %dma_wait3A_554 = arith.constant 0 : i32
      %dma_wait3A_555 = tpu.memref_slice %arg6[%run_scoped3A_443, %dma_wait3A_553, %dma_wait3A_554] : memref<2x128x64xf32, #tpu.memory_space<vmem>> -> memref<1x128x64xf32, #tpu.memory_space<vmem>>
      %dma_wait3A_556 = tpu.memref_squeeze %dma_wait3A_555 : memref<1x128x64xf32, #tpu.memory_space<vmem>> -> memref<128x64xf32, #tpu.memory_space<vmem>>
      %dma_wait3A_557 = arith.constant 0 : i32
      %dma_wait3A_558 = tpu.memref_slice %arg4[%add3A_442, %dma_wait3A_557] : memref<81920x64xf32, #tpu.memory_space<hbm>> -> memref<128x64xf32, #tpu.memory_space<hbm>>
      %dma_wait3A_559 = arith.constant 0 : i32
      %dma_wait3A_560 = tpu.memref_slice %arg4[%add3A_442, %dma_wait3A_559] : memref<81920x64xf32, #tpu.memory_space<hbm>> -> memref<128x64xf32, #tpu.memory_space<hbm>>
      %dma_wait3A_561 = arith.constant 0 : i32
      %dma_wait3A_562 = arith.constant 0 : i32
      %dma_wait3A_563 = tpu.memref_slice %arg6[%run_scoped3A_443, %dma_wait3A_561, %dma_wait3A_562] : memref<2x128x64xf32, #tpu.memory_space<vmem>> -> memref<1x128x64xf32, #tpu.memory_space<vmem>>
      %dma_wait3A_564 = tpu.memref_squeeze %dma_wait3A_563 : memref<1x128x64xf32, #tpu.memory_space<vmem>> -> memref<128x64xf32, #tpu.memory_space<vmem>>
      tpu.wait_dma2 semaphore(%run_scoped3A_540 : memref<!tpu.dma_semaphore, #tpu.memory_space<semaphore_mem>>) src(%dma_wait3A_564 : memref<128x64xf32, #tpu.memory_space<vmem>>) dst(%dma_wait3A_560 : memref<128x64xf32, #tpu.memory_space<hbm>>)
      tpu.yield
    }) : () -> ()
    %dma_start3A_444 = arith.constant 17 : i32
    %dma_start3A_445 = arith.constant 1 : i32
    %dma_start3A_446 = arith.constant 0 : i32
    %dma_start3A_447 = arith.constant 0 : i32
    %dma_start3A_448 = tpu.memref_slice %arg6[%dma_start3A_445, %dma_start3A_446, %dma_start3A_447] : memref<2x128x64xf32, #tpu.memory_space<vmem>> -> memref<1x128x64xf32, #tpu.memory_space<vmem>>
    %dma_start3A_449 = tpu.memref_squeeze %dma_start3A_448 : memref<1x128x64xf32, #tpu.memory_space<vmem>> -> memref<128x64xf32, #tpu.memory_space<vmem>>
    %dma_start3A_450 = arith.constant 0 : i32
    %dma_start3A_451 = tpu.memref_slice %arg5[%dma_start3A_444, %dma_start3A_450] : memref<20x128xi32, #tpu.memory_space<vmem>> -> memref<1x128xi32, #tpu.memory_space<vmem>>
    %dma_start3A_452 = tpu.memref_squeeze %dma_start3A_451 : memref<1x128xi32, #tpu.memory_space<vmem>> -> memref<128xi32, #tpu.memory_space<vmem>>
    %dma_start3A_453 = arith.constant 0 : i32
    %dma_start3A_454 = arith.constant 0 : i32
    %dma_start3A_455 = tpu.memref_slice %arg3[%dma_start3A_453, %dma_start3A_454] : memref<1000000x64xf32, #tpu.memory_space<hbm>> -> memref<1000000x64xf32, #tpu.memory_space<hbm>>
    tpu.enqueue_indirect_dma source(%dma_start3A_455 : memref<1000000x64xf32, #tpu.memory_space<hbm>>) target(%dma_start3A_449 : memref<128x64xf32, #tpu.memory_space<vmem>>) offsets(%dma_start3A_452 : memref<128xi32, #tpu.memory_space<vmem>>) semaphore(%arg8 : memref<!tpu.dma_semaphore, #tpu.memory_space<semaphore_mem>>)
    %dma_wait3A_456 = arith.constant 16 : i32
    %dma_wait3A_457 = arith.constant 0 : i32
    %dma_wait3A_458 = arith.constant 0 : i32
    %dma_wait3A_459 = arith.constant 0 : i32
    %dma_wait3A_460 = tpu.memref_slice %arg6[%dma_wait3A_457, %dma_wait3A_458, %dma_wait3A_459] : memref<2x128x64xf32, #tpu.memory_space<vmem>> -> memref<1x128x64xf32, #tpu.memory_space<vmem>>
    %dma_wait3A_461 = tpu.memref_squeeze %dma_wait3A_460 : memref<1x128x64xf32, #tpu.memory_space<vmem>> -> memref<128x64xf32, #tpu.memory_space<vmem>>
    %dma_wait3A_462 = arith.constant 0 : i32
    %dma_wait3A_463 = tpu.memref_slice %arg5[%dma_wait3A_456, %dma_wait3A_462] : memref<20x128xi32, #tpu.memory_space<vmem>> -> memref<1x128xi32, #tpu.memory_space<vmem>>
    %dma_wait3A_464 = tpu.memref_squeeze %dma_wait3A_463 : memref<1x128xi32, #tpu.memory_space<vmem>> -> memref<128xi32, #tpu.memory_space<vmem>>
    %dma_wait3A_465 = arith.constant 0 : i32
    %dma_wait3A_466 = arith.constant 0 : i32
    %dma_wait3A_467 = tpu.memref_slice %arg3[%dma_wait3A_465, %dma_wait3A_466] : memref<1000000x64xf32, #tpu.memory_space<hbm>> -> memref<1000000x64xf32, #tpu.memory_space<hbm>>
    tpu.wait_indirect_dma semaphore(%arg7 : memref<!tpu.dma_semaphore, #tpu.memory_space<semaphore_mem>>) src(%dma_wait3A_467 : memref<1000000x64xf32, #tpu.memory_space<hbm>>) dst(%dma_wait3A_461 : memref<128x64xf32, #tpu.memory_space<vmem>>)
    %add3A_468 = arith.constant 2048 : i32
    %add3A_469 = arith.addi %mul3A_2, %add3A_468 : i32
    %run_scoped3A_470 = arith.constant 0 : i32
    "tpu.region"() ({
      %run_scoped3A_540 = tpu.sem_alloc : memref<!tpu.dma_semaphore, #tpu.memory_space<semaphore_mem>>
      %dma_start3A_541 = arith.constant 0 : i32
      %dma_start3A_542 = arith.constant 0 : i32
      %dma_start3A_543 = tpu.memref_slice %arg6[%run_scoped3A_470, %dma_start3A_541, %dma_start3A_542] : memref<2x128x64xf32, #tpu.memory_space<vmem>> -> memref<1x128x64xf32, #tpu.memory_space<vmem>>
      %dma_start3A_544 = tpu.memref_squeeze %dma_start3A_543 : memref<1x128x64xf32, #tpu.memory_space<vmem>> -> memref<128x64xf32, #tpu.memory_space<vmem>>
      %dma_start3A_545 = arith.constant 0 : i32
      %dma_start3A_546 = tpu.memref_slice %arg4[%add3A_469, %dma_start3A_545] : memref<81920x64xf32, #tpu.memory_space<hbm>> -> memref<128x64xf32, #tpu.memory_space<hbm>>
      %dma_start3A_547 = arith.constant 0 : i32
      %dma_start3A_548 = tpu.memref_slice %arg4[%add3A_469, %dma_start3A_547] : memref<81920x64xf32, #tpu.memory_space<hbm>> -> memref<128x64xf32, #tpu.memory_space<hbm>>
      %dma_start3A_549 = arith.constant 0 : i32
      %dma_start3A_550 = arith.constant 0 : i32
      %dma_start3A_551 = tpu.memref_slice %arg6[%run_scoped3A_470, %dma_start3A_549, %dma_start3A_550] : memref<2x128x64xf32, #tpu.memory_space<vmem>> -> memref<1x128x64xf32, #tpu.memory_space<vmem>>
      %dma_start3A_552 = tpu.memref_squeeze %dma_start3A_551 : memref<1x128x64xf32, #tpu.memory_space<vmem>> -> memref<128x64xf32, #tpu.memory_space<vmem>>
      tpu.enqueue_dma source(%dma_start3A_552 : memref<128x64xf32, #tpu.memory_space<vmem>>) target(%dma_start3A_548 : memref<128x64xf32, #tpu.memory_space<hbm>>) target_semaphore(%run_scoped3A_540 : memref<!tpu.dma_semaphore, #tpu.memory_space<semaphore_mem>>)
      %dma_wait3A_553 = arith.constant 0 : i32
      %dma_wait3A_554 = arith.constant 0 : i32
      %dma_wait3A_555 = tpu.memref_slice %arg6[%run_scoped3A_470, %dma_wait3A_553, %dma_wait3A_554] : memref<2x128x64xf32, #tpu.memory_space<vmem>> -> memref<1x128x64xf32, #tpu.memory_space<vmem>>
      %dma_wait3A_556 = tpu.memref_squeeze %dma_wait3A_555 : memref<1x128x64xf32, #tpu.memory_space<vmem>> -> memref<128x64xf32, #tpu.memory_space<vmem>>
      %dma_wait3A_557 = arith.constant 0 : i32
      %dma_wait3A_558 = tpu.memref_slice %arg4[%add3A_469, %dma_wait3A_557] : memref<81920x64xf32, #tpu.memory_space<hbm>> -> memref<128x64xf32, #tpu.memory_space<hbm>>
      %dma_wait3A_559 = arith.constant 0 : i32
      %dma_wait3A_560 = tpu.memref_slice %arg4[%add3A_469, %dma_wait3A_559] : memref<81920x64xf32, #tpu.memory_space<hbm>> -> memref<128x64xf32, #tpu.memory_space<hbm>>
      %dma_wait3A_561 = arith.constant 0 : i32
      %dma_wait3A_562 = arith.constant 0 : i32
      %dma_wait3A_563 = tpu.memref_slice %arg6[%run_scoped3A_470, %dma_wait3A_561, %dma_wait3A_562] : memref<2x128x64xf32, #tpu.memory_space<vmem>> -> memref<1x128x64xf32, #tpu.memory_space<vmem>>
      %dma_wait3A_564 = tpu.memref_squeeze %dma_wait3A_563 : memref<1x128x64xf32, #tpu.memory_space<vmem>> -> memref<128x64xf32, #tpu.memory_space<vmem>>
      tpu.wait_dma2 semaphore(%run_scoped3A_540 : memref<!tpu.dma_semaphore, #tpu.memory_space<semaphore_mem>>) src(%dma_wait3A_564 : memref<128x64xf32, #tpu.memory_space<vmem>>) dst(%dma_wait3A_560 : memref<128x64xf32, #tpu.memory_space<hbm>>)
      tpu.yield
    }) : () -> ()
    %dma_start3A_471 = arith.constant 18 : i32
    %dma_start3A_472 = arith.constant 0 : i32
    %dma_start3A_473 = arith.constant 0 : i32
    %dma_start3A_474 = arith.constant 0 : i32
    %dma_start3A_475 = tpu.memref_slice %arg6[%dma_start3A_472, %dma_start3A_473, %dma_start3A_474] : memref<2x128x64xf32, #tpu.memory_space<vmem>> -> memref<1x128x64xf32, #tpu.memory_space<vmem>>
    %dma_start3A_476 = tpu.memref_squeeze %dma_start3A_475 : memref<1x128x64xf32, #tpu.memory_space<vmem>> -> memref<128x64xf32, #tpu.memory_space<vmem>>
    %dma_start3A_477 = arith.constant 0 : i32
    %dma_start3A_478 = tpu.memref_slice %arg5[%dma_start3A_471, %dma_start3A_477] : memref<20x128xi32, #tpu.memory_space<vmem>> -> memref<1x128xi32, #tpu.memory_space<vmem>>
    %dma_start3A_479 = tpu.memref_squeeze %dma_start3A_478 : memref<1x128xi32, #tpu.memory_space<vmem>> -> memref<128xi32, #tpu.memory_space<vmem>>
    %dma_start3A_480 = arith.constant 0 : i32
    %dma_start3A_481 = arith.constant 0 : i32
    %dma_start3A_482 = tpu.memref_slice %arg3[%dma_start3A_480, %dma_start3A_481] : memref<1000000x64xf32, #tpu.memory_space<hbm>> -> memref<1000000x64xf32, #tpu.memory_space<hbm>>
    tpu.enqueue_indirect_dma source(%dma_start3A_482 : memref<1000000x64xf32, #tpu.memory_space<hbm>>) target(%dma_start3A_476 : memref<128x64xf32, #tpu.memory_space<vmem>>) offsets(%dma_start3A_479 : memref<128xi32, #tpu.memory_space<vmem>>) semaphore(%arg7 : memref<!tpu.dma_semaphore, #tpu.memory_space<semaphore_mem>>)
    %dma_wait3A_483 = arith.constant 17 : i32
    %dma_wait3A_484 = arith.constant 1 : i32
    %dma_wait3A_485 = arith.constant 0 : i32
    %dma_wait3A_486 = arith.constant 0 : i32
    %dma_wait3A_487 = tpu.memref_slice %arg6[%dma_wait3A_484, %dma_wait3A_485, %dma_wait3A_486] : memref<2x128x64xf32, #tpu.memory_space<vmem>> -> memref<1x128x64xf32, #tpu.memory_space<vmem>>
    %dma_wait3A_488 = tpu.memref_squeeze %dma_wait3A_487 : memref<1x128x64xf32, #tpu.memory_space<vmem>> -> memref<128x64xf32, #tpu.memory_space<vmem>>
    %dma_wait3A_489 = arith.constant 0 : i32
    %dma_wait3A_490 = tpu.memref_slice %arg5[%dma_wait3A_483, %dma_wait3A_489] : memref<20x128xi32, #tpu.memory_space<vmem>> -> memref<1x128xi32, #tpu.memory_space<vmem>>
    %dma_wait3A_491 = tpu.memref_squeeze %dma_wait3A_490 : memref<1x128xi32, #tpu.memory_space<vmem>> -> memref<128xi32, #tpu.memory_space<vmem>>
    %dma_wait3A_492 = arith.constant 0 : i32
    %dma_wait3A_493 = arith.constant 0 : i32
    %dma_wait3A_494 = tpu.memref_slice %arg3[%dma_wait3A_492, %dma_wait3A_493] : memref<1000000x64xf32, #tpu.memory_space<hbm>> -> memref<1000000x64xf32, #tpu.memory_space<hbm>>
    tpu.wait_indirect_dma semaphore(%arg8 : memref<!tpu.dma_semaphore, #tpu.memory_space<semaphore_mem>>) src(%dma_wait3A_494 : memref<1000000x64xf32, #tpu.memory_space<hbm>>) dst(%dma_wait3A_488 : memref<128x64xf32, #tpu.memory_space<vmem>>)
    %add3A_495 = arith.constant 2176 : i32
    %add3A_496 = arith.addi %mul3A_2, %add3A_495 : i32
    %run_scoped3A_497 = arith.constant 1 : i32
    "tpu.region"() ({
      %run_scoped3A_540 = tpu.sem_alloc : memref<!tpu.dma_semaphore, #tpu.memory_space<semaphore_mem>>
      %dma_start3A_541 = arith.constant 0 : i32
      %dma_start3A_542 = arith.constant 0 : i32
      %dma_start3A_543 = tpu.memref_slice %arg6[%run_scoped3A_497, %dma_start3A_541, %dma_start3A_542] : memref<2x128x64xf32, #tpu.memory_space<vmem>> -> memref<1x128x64xf32, #tpu.memory_space<vmem>>
      %dma_start3A_544 = tpu.memref_squeeze %dma_start3A_543 : memref<1x128x64xf32, #tpu.memory_space<vmem>> -> memref<128x64xf32, #tpu.memory_space<vmem>>
      %dma_start3A_545 = arith.constant 0 : i32
      %dma_start3A_546 = tpu.memref_slice %arg4[%add3A_496, %dma_start3A_545] : memref<81920x64xf32, #tpu.memory_space<hbm>> -> memref<128x64xf32, #tpu.memory_space<hbm>>
      %dma_start3A_547 = arith.constant 0 : i32
      %dma_start3A_548 = tpu.memref_slice %arg4[%add3A_496, %dma_start3A_547] : memref<81920x64xf32, #tpu.memory_space<hbm>> -> memref<128x64xf32, #tpu.memory_space<hbm>>
      %dma_start3A_549 = arith.constant 0 : i32
      %dma_start3A_550 = arith.constant 0 : i32
      %dma_start3A_551 = tpu.memref_slice %arg6[%run_scoped3A_497, %dma_start3A_549, %dma_start3A_550] : memref<2x128x64xf32, #tpu.memory_space<vmem>> -> memref<1x128x64xf32, #tpu.memory_space<vmem>>
      %dma_start3A_552 = tpu.memref_squeeze %dma_start3A_551 : memref<1x128x64xf32, #tpu.memory_space<vmem>> -> memref<128x64xf32, #tpu.memory_space<vmem>>
      tpu.enqueue_dma source(%dma_start3A_552 : memref<128x64xf32, #tpu.memory_space<vmem>>) target(%dma_start3A_548 : memref<128x64xf32, #tpu.memory_space<hbm>>) target_semaphore(%run_scoped3A_540 : memref<!tpu.dma_semaphore, #tpu.memory_space<semaphore_mem>>)
      %dma_wait3A_553 = arith.constant 0 : i32
      %dma_wait3A_554 = arith.constant 0 : i32
      %dma_wait3A_555 = tpu.memref_slice %arg6[%run_scoped3A_497, %dma_wait3A_553, %dma_wait3A_554] : memref<2x128x64xf32, #tpu.memory_space<vmem>> -> memref<1x128x64xf32, #tpu.memory_space<vmem>>
      %dma_wait3A_556 = tpu.memref_squeeze %dma_wait3A_555 : memref<1x128x64xf32, #tpu.memory_space<vmem>> -> memref<128x64xf32, #tpu.memory_space<vmem>>
      %dma_wait3A_557 = arith.constant 0 : i32
      %dma_wait3A_558 = tpu.memref_slice %arg4[%add3A_496, %dma_wait3A_557] : memref<81920x64xf32, #tpu.memory_space<hbm>> -> memref<128x64xf32, #tpu.memory_space<hbm>>
      %dma_wait3A_559 = arith.constant 0 : i32
      %dma_wait3A_560 = tpu.memref_slice %arg4[%add3A_496, %dma_wait3A_559] : memref<81920x64xf32, #tpu.memory_space<hbm>> -> memref<128x64xf32, #tpu.memory_space<hbm>>
      %dma_wait3A_561 = arith.constant 0 : i32
      %dma_wait3A_562 = arith.constant 0 : i32
      %dma_wait3A_563 = tpu.memref_slice %arg6[%run_scoped3A_497, %dma_wait3A_561, %dma_wait3A_562] : memref<2x128x64xf32, #tpu.memory_space<vmem>> -> memref<1x128x64xf32, #tpu.memory_space<vmem>>
      %dma_wait3A_564 = tpu.memref_squeeze %dma_wait3A_563 : memref<1x128x64xf32, #tpu.memory_space<vmem>> -> memref<128x64xf32, #tpu.memory_space<vmem>>
      tpu.wait_dma2 semaphore(%run_scoped3A_540 : memref<!tpu.dma_semaphore, #tpu.memory_space<semaphore_mem>>) src(%dma_wait3A_564 : memref<128x64xf32, #tpu.memory_space<vmem>>) dst(%dma_wait3A_560 : memref<128x64xf32, #tpu.memory_space<hbm>>)
      tpu.yield
    }) : () -> ()
    %dma_start3A_498 = arith.constant 19 : i32
    %dma_start3A_499 = arith.constant 1 : i32
    %dma_start3A_500 = arith.constant 0 : i32
    %dma_start3A_501 = arith.constant 0 : i32
    %dma_start3A_502 = tpu.memref_slice %arg6[%dma_start3A_499, %dma_start3A_500, %dma_start3A_501] : memref<2x128x64xf32, #tpu.memory_space<vmem>> -> memref<1x128x64xf32, #tpu.memory_space<vmem>>
    %dma_start3A_503 = tpu.memref_squeeze %dma_start3A_502 : memref<1x128x64xf32, #tpu.memory_space<vmem>> -> memref<128x64xf32, #tpu.memory_space<vmem>>
    %dma_start3A_504 = arith.constant 0 : i32
    %dma_start3A_505 = tpu.memref_slice %arg5[%dma_start3A_498, %dma_start3A_504] : memref<20x128xi32, #tpu.memory_space<vmem>> -> memref<1x128xi32, #tpu.memory_space<vmem>>
    %dma_start3A_506 = tpu.memref_squeeze %dma_start3A_505 : memref<1x128xi32, #tpu.memory_space<vmem>> -> memref<128xi32, #tpu.memory_space<vmem>>
    %dma_start3A_507 = arith.constant 0 : i32
    %dma_start3A_508 = arith.constant 0 : i32
    %dma_start3A_509 = tpu.memref_slice %arg3[%dma_start3A_507, %dma_start3A_508] : memref<1000000x64xf32, #tpu.memory_space<hbm>> -> memref<1000000x64xf32, #tpu.memory_space<hbm>>
    tpu.enqueue_indirect_dma source(%dma_start3A_509 : memref<1000000x64xf32, #tpu.memory_space<hbm>>) target(%dma_start3A_503 : memref<128x64xf32, #tpu.memory_space<vmem>>) offsets(%dma_start3A_506 : memref<128xi32, #tpu.memory_space<vmem>>) semaphore(%arg8 : memref<!tpu.dma_semaphore, #tpu.memory_space<semaphore_mem>>)
    %dma_wait3A_510 = arith.constant 18 : i32
    %dma_wait3A_511 = arith.constant 0 : i32
    %dma_wait3A_512 = arith.constant 0 : i32
    %dma_wait3A_513 = arith.constant 0 : i32
    %dma_wait3A_514 = tpu.memref_slice %arg6[%dma_wait3A_511, %dma_wait3A_512, %dma_wait3A_513] : memref<2x128x64xf32, #tpu.memory_space<vmem>> -> memref<1x128x64xf32, #tpu.memory_space<vmem>>
    %dma_wait3A_515 = tpu.memref_squeeze %dma_wait3A_514 : memref<1x128x64xf32, #tpu.memory_space<vmem>> -> memref<128x64xf32, #tpu.memory_space<vmem>>
    %dma_wait3A_516 = arith.constant 0 : i32
    %dma_wait3A_517 = tpu.memref_slice %arg5[%dma_wait3A_510, %dma_wait3A_516] : memref<20x128xi32, #tpu.memory_space<vmem>> -> memref<1x128xi32, #tpu.memory_space<vmem>>
    %dma_wait3A_518 = tpu.memref_squeeze %dma_wait3A_517 : memref<1x128xi32, #tpu.memory_space<vmem>> -> memref<128xi32, #tpu.memory_space<vmem>>
    %dma_wait3A_519 = arith.constant 0 : i32
    %dma_wait3A_520 = arith.constant 0 : i32
    %dma_wait3A_521 = tpu.memref_slice %arg3[%dma_wait3A_519, %dma_wait3A_520] : memref<1000000x64xf32, #tpu.memory_space<hbm>> -> memref<1000000x64xf32, #tpu.memory_space<hbm>>
    tpu.wait_indirect_dma semaphore(%arg7 : memref<!tpu.dma_semaphore, #tpu.memory_space<semaphore_mem>>) src(%dma_wait3A_521 : memref<1000000x64xf32, #tpu.memory_space<hbm>>) dst(%dma_wait3A_515 : memref<128x64xf32, #tpu.memory_space<vmem>>)
    %add3A_522 = arith.constant 2304 : i32
    %add3A_523 = arith.addi %mul3A_2, %add3A_522 : i32
    %run_scoped3A_524 = arith.constant 0 : i32
    "tpu.region"() ({
      %run_scoped3A_540 = tpu.sem_alloc : memref<!tpu.dma_semaphore, #tpu.memory_space<semaphore_mem>>
      %dma_start3A_541 = arith.constant 0 : i32
      %dma_start3A_542 = arith.constant 0 : i32
      %dma_start3A_543 = tpu.memref_slice %arg6[%run_scoped3A_524, %dma_start3A_541, %dma_start3A_542] : memref<2x128x64xf32, #tpu.memory_space<vmem>> -> memref<1x128x64xf32, #tpu.memory_space<vmem>>
      %dma_start3A_544 = tpu.memref_squeeze %dma_start3A_543 : memref<1x128x64xf32, #tpu.memory_space<vmem>> -> memref<128x64xf32, #tpu.memory_space<vmem>>
      %dma_start3A_545 = arith.constant 0 : i32
      %dma_start3A_546 = tpu.memref_slice %arg4[%add3A_523, %dma_start3A_545] : memref<81920x64xf32, #tpu.memory_space<hbm>> -> memref<128x64xf32, #tpu.memory_space<hbm>>
      %dma_start3A_547 = arith.constant 0 : i32
      %dma_start3A_548 = tpu.memref_slice %arg4[%add3A_523, %dma_start3A_547] : memref<81920x64xf32, #tpu.memory_space<hbm>> -> memref<128x64xf32, #tpu.memory_space<hbm>>
      %dma_start3A_549 = arith.constant 0 : i32
      %dma_start3A_550 = arith.constant 0 : i32
      %dma_start3A_551 = tpu.memref_slice %arg6[%run_scoped3A_524, %dma_start3A_549, %dma_start3A_550] : memref<2x128x64xf32, #tpu.memory_space<vmem>> -> memref<1x128x64xf32, #tpu.memory_space<vmem>>
      %dma_start3A_552 = tpu.memref_squeeze %dma_start3A_551 : memref<1x128x64xf32, #tpu.memory_space<vmem>> -> memref<128x64xf32, #tpu.memory_space<vmem>>
      tpu.enqueue_dma source(%dma_start3A_552 : memref<128x64xf32, #tpu.memory_space<vmem>>) target(%dma_start3A_548 : memref<128x64xf32, #tpu.memory_space<hbm>>) target_semaphore(%run_scoped3A_540 : memref<!tpu.dma_semaphore, #tpu.memory_space<semaphore_mem>>)
      %dma_wait3A_553 = arith.constant 0 : i32
      %dma_wait3A_554 = arith.constant 0 : i32
      %dma_wait3A_555 = tpu.memref_slice %arg6[%run_scoped3A_524, %dma_wait3A_553, %dma_wait3A_554] : memref<2x128x64xf32, #tpu.memory_space<vmem>> -> memref<1x128x64xf32, #tpu.memory_space<vmem>>
      %dma_wait3A_556 = tpu.memref_squeeze %dma_wait3A_555 : memref<1x128x64xf32, #tpu.memory_space<vmem>> -> memref<128x64xf32, #tpu.memory_space<vmem>>
      %dma_wait3A_557 = arith.constant 0 : i32
      %dma_wait3A_558 = tpu.memref_slice %arg4[%add3A_523, %dma_wait3A_557] : memref<81920x64xf32, #tpu.memory_space<hbm>> -> memref<128x64xf32, #tpu.memory_space<hbm>>
      %dma_wait3A_559 = arith.constant 0 : i32
      %dma_wait3A_560 = tpu.memref_slice %arg4[%add3A_523, %dma_wait3A_559] : memref<81920x64xf32, #tpu.memory_space<hbm>> -> memref<128x64xf32, #tpu.memory_space<hbm>>
      %dma_wait3A_561 = arith.constant 0 : i32
      %dma_wait3A_562 = arith.constant 0 : i32
      %dma_wait3A_563 = tpu.memref_slice %arg6[%run_scoped3A_524, %dma_wait3A_561, %dma_wait3A_562] : memref<2x128x64xf32, #tpu.memory_space<vmem>> -> memref<1x128x64xf32, #tpu.memory_space<vmem>>
      %dma_wait3A_564 = tpu.memref_squeeze %dma_wait3A_563 : memref<1x128x64xf32, #tpu.memory_space<vmem>> -> memref<128x64xf32, #tpu.memory_space<vmem>>
      tpu.wait_dma2 semaphore(%run_scoped3A_540 : memref<!tpu.dma_semaphore, #tpu.memory_space<semaphore_mem>>) src(%dma_wait3A_564 : memref<128x64xf32, #tpu.memory_space<vmem>>) dst(%dma_wait3A_560 : memref<128x64xf32, #tpu.memory_space<hbm>>)
      tpu.yield
    }) : () -> ()
    %dma_wait3A_525 = arith.constant 19 : i32
    %dma_wait3A_526 = arith.constant 1 : i32
    %dma_wait3A_527 = arith.constant 0 : i32
    %dma_wait3A_528 = arith.constant 0 : i32
    %dma_wait3A_529 = tpu.memref_slice %arg6[%dma_wait3A_526, %dma_wait3A_527, %dma_wait3A_528] : memref<2x128x64xf32, #tpu.memory_space<vmem>> -> memref<1x128x64xf32, #tpu.memory_space<vmem>>
    %dma_wait3A_530 = tpu.memref_squeeze %dma_wait3A_529 : memref<1x128x64xf32, #tpu.memory_space<vmem>> -> memref<128x64xf32, #tpu.memory_space<vmem>>
    %dma_wait3A_531 = arith.constant 0 : i32
    %dma_wait3A_532 = tpu.memref_slice %arg5[%dma_wait3A_525, %dma_wait3A_531] : memref<20x128xi32, #tpu.memory_space<vmem>> -> memref<1x128xi32, #tpu.memory_space<vmem>>
    %dma_wait3A_533 = tpu.memref_squeeze %dma_wait3A_532 : memref<1x128xi32, #tpu.memory_space<vmem>> -> memref<128xi32, #tpu.memory_space<vmem>>
    %dma_wait3A_534 = arith.constant 0 : i32
    %dma_wait3A_535 = arith.constant 0 : i32
    %dma_wait3A_536 = tpu.memref_slice %arg3[%dma_wait3A_534, %dma_wait3A_535] : memref<1000000x64xf32, #tpu.memory_space<hbm>> -> memref<1000000x64xf32, #tpu.memory_space<hbm>>
    tpu.wait_indirect_dma semaphore(%arg8 : memref<!tpu.dma_semaphore, #tpu.memory_space<semaphore_mem>>) src(%dma_wait3A_536 : memref<1000000x64xf32, #tpu.memory_space<hbm>>) dst(%dma_wait3A_530 : memref<128x64xf32, #tpu.memory_space<vmem>>)
    %add3A_537 = arith.constant 2432 : i32
    %add3A_538 = arith.addi %mul3A_2, %add3A_537 : i32
    %run_scoped3A_539 = arith.constant 1 : i32
    "tpu.region"() ({
      %run_scoped3A_540 = tpu.sem_alloc : memref<!tpu.dma_semaphore, #tpu.memory_space<semaphore_mem>>
      %dma_start3A_541 = arith.constant 0 : i32
      %dma_start3A_542 = arith.constant 0 : i32
      %dma_start3A_543 = tpu.memref_slice %arg6[%run_scoped3A_539, %dma_start3A_541, %dma_start3A_542] : memref<2x128x64xf32, #tpu.memory_space<vmem>> -> memref<1x128x64xf32, #tpu.memory_space<vmem>>
      %dma_start3A_544 = tpu.memref_squeeze %dma_start3A_543 : memref<1x128x64xf32, #tpu.memory_space<vmem>> -> memref<128x64xf32, #tpu.memory_space<vmem>>
      %dma_start3A_545 = arith.constant 0 : i32
      %dma_start3A_546 = tpu.memref_slice %arg4[%add3A_538, %dma_start3A_545] : memref<81920x64xf32, #tpu.memory_space<hbm>> -> memref<128x64xf32, #tpu.memory_space<hbm>>
      %dma_start3A_547 = arith.constant 0 : i32
      %dma_start3A_548 = tpu.memref_slice %arg4[%add3A_538, %dma_start3A_547] : memref<81920x64xf32, #tpu.memory_space<hbm>> -> memref<128x64xf32, #tpu.memory_space<hbm>>
      %dma_start3A_549 = arith.constant 0 : i32
      %dma_start3A_550 = arith.constant 0 : i32
      %dma_start3A_551 = tpu.memref_slice %arg6[%run_scoped3A_539, %dma_start3A_549, %dma_start3A_550] : memref<2x128x64xf32, #tpu.memory_space<vmem>> -> memref<1x128x64xf32, #tpu.memory_space<vmem>>
      %dma_start3A_552 = tpu.memref_squeeze %dma_start3A_551 : memref<1x128x64xf32, #tpu.memory_space<vmem>> -> memref<128x64xf32, #tpu.memory_space<vmem>>
      tpu.enqueue_dma source(%dma_start3A_552 : memref<128x64xf32, #tpu.memory_space<vmem>>) target(%dma_start3A_548 : memref<128x64xf32, #tpu.memory_space<hbm>>) target_semaphore(%run_scoped3A_540 : memref<!tpu.dma_semaphore, #tpu.memory_space<semaphore_mem>>)
      %dma_wait3A_553 = arith.constant 0 : i32
      %dma_wait3A_554 = arith.constant 0 : i32
      %dma_wait3A_555 = tpu.memref_slice %arg6[%run_scoped3A_539, %dma_wait3A_553, %dma_wait3A_554] : memref<2x128x64xf32, #tpu.memory_space<vmem>> -> memref<1x128x64xf32, #tpu.memory_space<vmem>>
      %dma_wait3A_556 = tpu.memref_squeeze %dma_wait3A_555 : memref<1x128x64xf32, #tpu.memory_space<vmem>> -> memref<128x64xf32, #tpu.memory_space<vmem>>
      %dma_wait3A_557 = arith.constant 0 : i32
      %dma_wait3A_558 = tpu.memref_slice %arg4[%add3A_538, %dma_wait3A_557] : memref<81920x64xf32, #tpu.memory_space<hbm>> -> memref<128x64xf32, #tpu.memory_space<hbm>>
      %dma_wait3A_559 = arith.constant 0 : i32
      %dma_wait3A_560 = tpu.memref_slice %arg4[%add3A_538, %dma_wait3A_559] : memref<81920x64xf32, #tpu.memory_space<hbm>> -> memref<128x64xf32, #tpu.memory_space<hbm>>
      %dma_wait3A_561 = arith.constant 0 : i32
      %dma_wait3A_562 = arith.constant 0 : i32
      %dma_wait3A_563 = tpu.memref_slice %arg6[%run_scoped3A_539, %dma_wait3A_561, %dma_wait3A_562] : memref<2x128x64xf32, #tpu.memory_space<vmem>> -> memref<1x128x64xf32, #tpu.memory_space<vmem>>
      %dma_wait3A_564 = tpu.memref_squeeze %dma_wait3A_563 : memref<1x128x64xf32, #tpu.memory_space<vmem>> -> memref<128x64xf32, #tpu.memory_space<vmem>>
      tpu.wait_dma2 semaphore(%run_scoped3A_540 : memref<!tpu.dma_semaphore, #tpu.memory_space<semaphore_mem>>) src(%dma_wait3A_564 : memref<128x64xf32, #tpu.memory_space<vmem>>) dst(%dma_wait3A_560 : memref<128x64xf32, #tpu.memory_space<hbm>>)
      tpu.yield
    }) : () -> ()
    return
  }
}

module attributes {stable_mosaic.version = 14 : i64} {
  func.func @_mlp_body(%arg0: i32, %arg1: memref<1024x320xf32, #tpu.memory_space<vmem>>, %arg2: memref<320x128xf32, #tpu.memory_space<vmem>>, %arg3: memref<1x128xf32, #tpu.memory_space<vmem>>, %arg4: memref<128x64xf32, #tpu.memory_space<vmem>>, %arg5: memref<1x64xf32, #tpu.memory_space<vmem>>, %arg6: memref<1024x64xf32, #tpu.memory_space<vmem>>) attributes {dimension_semantics = [#tpu.dimension_semantics<arbitrary>], iteration_bounds = array<i64: 16>, scalar_prefetch = 0 : i64, scratch_operands = 0 : i64, tpu.core_type = #tpu.core_type<tc>, window_params = [{transform_indices = @transform_0, window_bounds = array<i64: 1024, 320>}, {pipeline_mode = #tpu.pipeline_mode<synchronous>, transform_indices = @transform_1, window_bounds = array<i64: 320, 128>}, {pipeline_mode = #tpu.pipeline_mode<synchronous>, transform_indices = @transform_2, window_bounds = array<i64: 1, 128>}, {pipeline_mode = #tpu.pipeline_mode<synchronous>, transform_indices = @transform_3, window_bounds = array<i64: 128, 64>}, {pipeline_mode = #tpu.pipeline_mode<synchronous>, transform_indices = @transform_4, window_bounds = array<i64: 1, 64>}, {transform_indices = @transform_5, window_bounds = array<i64: 1024, 64>}]} {
    %get3A = arith.constant 0 : index
    %get3A_0 = arith.constant 0 : index
    %get3A_1 = vector.load %arg1[%get3A, %get3A_0] : memref<1024x320xf32, #tpu.memory_space<vmem>>, vector<1024x320xf32>
    %get3A_2 = arith.constant 0 : index
    %get3A_3 = arith.constant 0 : index
    %get3A_4 = vector.load %arg2[%get3A_2, %get3A_3] : memref<320x128xf32, #tpu.memory_space<vmem>>, vector<320x128xf32>
    %dot_general3A = arith.constant dense<0.000000e+00> : vector<1024x128xf32>
    %dot_general3A_5 = tpu.matmul %get3A_1, %get3A_4, %dot_general3A {dimension_numbers = #tpu.dot_dimension_numbers<[1], [0], [0], [1], [0, 0, 1, 1], [], []>, transpose_lhs_hint = false} : vector<1024x320xf32>, vector<320x128xf32>, vector<1024x128xf32> -> vector<1024x128xf32>
    %get3A_6 = arith.constant 0 : index
    %get3A_7 = arith.constant 0 : index
    %get3A_8 = vector.load %arg3[%get3A_6, %get3A_7] : memref<1x128xf32, #tpu.memory_space<vmem>>, vector<1x128xf32>
    %add3A = vector.broadcast %get3A_8 : vector<1x128xf32> to vector<1024x128xf32>
    %add3A_9 = arith.addf %dot_general3A_5, %add3A : vector<1024x128xf32>
    %tanh3A = math.tanh %add3A_9 : vector<1024x128xf32>
    %get3A_10 = arith.constant 0 : index
    %get3A_11 = arith.constant 0 : index
    %get3A_12 = vector.load %arg4[%get3A_10, %get3A_11] : memref<128x64xf32, #tpu.memory_space<vmem>>, vector<128x64xf32>
    %dot_general3A_13 = arith.constant dense<0.000000e+00> : vector<1024x64xf32>
    %dot_general3A_14 = tpu.matmul %tanh3A, %get3A_12, %dot_general3A_13 {dimension_numbers = #tpu.dot_dimension_numbers<[1], [0], [0], [1], [0, 0, 1, 1], [], []>, transpose_lhs_hint = false} : vector<1024x128xf32>, vector<128x64xf32>, vector<1024x64xf32> -> vector<1024x64xf32>
    %get3A_15 = arith.constant 0 : index
    %get3A_16 = arith.constant 0 : index
    %get3A_17 = vector.load %arg5[%get3A_15, %get3A_16] : memref<1x64xf32, #tpu.memory_space<vmem>>, vector<1x64xf32>
    %add3A_18 = vector.broadcast %get3A_17 : vector<1x64xf32> to vector<1024x64xf32>
    %add3A_19 = arith.addf %dot_general3A_14, %add3A_18 : vector<1024x64xf32>
    %swap3A = arith.constant 0 : index
    %swap3A_20 = arith.constant 0 : index
    %swap3A_21 = vector.load %arg6[%swap3A, %swap3A_20] : memref<1024x64xf32, #tpu.memory_space<vmem>>, vector<1024x64xf32>
    tpu.vector_store %arg6[%swap3A, %swap3A_20], %add3A_19 {strides = array<i32>} : memref<1024x64xf32, #tpu.memory_space<vmem>>, vector<1024x64xf32>,
    return
  }
  func.func @transform_0(%arg0: i32) -> (i32, i32) {
    %c0_i32 = arith.constant 0 : i32
    %c0_i32_0 = arith.constant 0 : i32
    return %arg0, %c0_i32 : i32, i32
  }
  func.func @transform_1(%arg0: i32) -> (i32, i32) {
    %c0_i32 = arith.constant 0 : i32
    %c0_i32_0 = arith.constant 0 : i32
    %c0_i32_1 = arith.constant 0 : i32
    return %c0_i32, %c0_i32_0 : i32, i32
  }
  func.func @transform_2(%arg0: i32) -> (i32, i32) {
    %c0_i32 = arith.constant 0 : i32
    %c0_i32_0 = arith.constant 0 : i32
    %c0_i32_1 = arith.constant 0 : i32
    return %c0_i32, %c0_i32_0 : i32, i32
  }
  func.func @transform_3(%arg0: i32) -> (i32, i32) {
    %c0_i32 = arith.constant 0 : i32
    %c0_i32_0 = arith.constant 0 : i32
    %c0_i32_1 = arith.constant 0 : i32
    return %c0_i32, %c0_i32_0 : i32, i32
  }
  func.func @transform_4(%arg0: i32) -> (i32, i32) {
    %c0_i32 = arith.constant 0 : i32
    %c0_i32_0 = arith.constant 0 : i32
    %c0_i32_1 = arith.constant 0 : i32
    return %c0_i32, %c0_i32_0 : i32, i32
  }
  func.func @transform_5(%arg0: i32) -> (i32, i32) {
    %c0_i32 = arith.constant 0 : i32
    %c0_i32_0 = arith.constant 0 : i32
    return %arg0, %c0_i32 : i32, i32
  }
}

</mosaic_0001>

<sc_bundles>
// kernel: kernel.4.cloned.1.call-start
scs
__scs_entry_jumppad:
0x0: {  	(pc) =	sbr.rel $0x88, $3  }
0x1: {  	(tag) =	ssettag $0x0;
	lr =	simm.s32 $0x1  }
0x2: {  	[smem:$0x3F9B] =	sst lr;
	_ =	strace $0xD0000000  }
0x3: {  	_ = 	snop  }
0x4: {  	_ = 	snop  }
0x5: {  	_ = 	snop  }
0x6: {  	_ = 	snop  }
0x7: {  	_ = 	snop  }
__scs_overlays_trampoline_lowered:
0x8: {  	[smem:$0x3FAA] =	sst s0  }
0x9: {  	[smem:$0x3FAB] =	sst s1  }
0xa: {  	[smem:$0x3FAC] =	sst s2  }
0xb: {  	[smem:$0x3FAD] =	sst s3  }
0xc: {  	[smem:$0x3FAE] =	sst s4  }
0xd: {  	[smem:$0x3FAF] =	sst s5  }
0xe: {  	[smem:$0x3FB0] =	sst s6  }
0xf: {  	[smem:$0x3FB1] =	sst s7  }
0x10: {  	[smem:$0x3FB2] =	sst s8  }
0x11: {  	[smem:$0x3FB3] =	sst s9;
	s0 =	simm.s32 @!p0 $0x0  }
0x12: {  	s1 =	sld [smem:$0x3F99];
	s0 =	simm.s32 @p0 $0x1  }
0x13: {  	[smem:$0x3FB4] =	sst s0;
	s0 =	simm.s32 @!p1 $0x0  }
0x14: {  	s2 =	sld [smem:$0x3F98];
	s0 =	simm.s32 @p1 $0x1  }
0x15: {  	[smem:$0x3FB5] =	sst s0;
	s0 =	simm.s32 @!p2 $0x0  }
0x16: {  	s3 =	sld [smem:$0x3FDB];
	s0 =	simm.s32 @p2 $0x1  }
0x17: {  	s4 =	simm.s32 $0x1BF5;
	[smem:$0x3FB7] =	sst s0  }
0x18: {  	s0 =	sld [smem:$0x3F9A];
	_ =	swait.ge [sflag:s4], $0x0  }
0x19: {  	s7 =	sld [smem:$0x3F9B]  }
0x1a: {  	s8 =	sadd.s32 $0xFFFFE003, lr  }
0x1b: {  	s9 =	sadd.s32 $0xFFFFFEF7, lr;
	s5 =	simm.s32 $0xFFFFFFFF;
	p2 =	slt.u32 s8, $0xFFFFF086  }
0x1c: {  	p1 =	slt.u32 s9, $0xF7A;
	s5 =	simm.s32 @!p2 $0x0  }
0x1d: {  	s5 =	simm.s32 @p1 $0x1;
	p0 =	seq.s32 s7, s2  }
0x1e: {  	s7 =	smul.u32 @!p0 $0xF7A, s2;
	p2 =	seq.s32 @!p0 s5, $0x0  }
0x1f: {  	s9 =	smul.u32 $0xF7A, s1;
	s8 =	simm.s32 @!p0 $0x1BF5;
	p2 =	por !p2, p0  }
0x20: {  	[sflag:s8] =	ssyncset.s32 @!p0 $0xFFFFF086;
	s6 =	sadd.s32 @!p0 s3, s7;
	s7 =	simm.s32 @!p0 $0x108  }
0x21: {  	s3 =	sadd.s32 s3, s9;
	s6 =	sadd.s32 @!p0 $0x88, s6;
	s7 =	simm.s32 @p2 $0x1082  }
0x22: {  	[simem:s7], [sflag:s8] =	dma.local @!p0 [hbm:s6], $0xF7A  }
0x23: {  	s9 =	sor.u32 $0xD0000000, s2;
	s6 =	simm.s32 $0x108;
	_ =	swait.ge @!p0 [sflag:s8], $0x0  }
0x24: {  	s3 =	sadd.s32 $0x88, s3;
	s6 =	simm.s32 @!p1 $0x1082;
	[sflag:s4] =	ssyncset.s32 $0xFFFFF086  }
0x25: {  	[simem:s6], [sflag:s4] =	dma.local [hbm:s3], $0xF7A  }
0x26: {  	[smem:$0x3F9B] =	sst s1;
	(tag) =	ssettag s2;
	_ =	strace s9  }
0x27: {  	s1 =	sld [smem:$0x3FAB]  }
0x28: {  	s2 =	sld [smem:$0x3FAC]  }
0x29: {  	s4 =	sld [smem:$0x3FAE]  }
0x2a: {  	p0 =	seq.s32 s5, $0x0;
	s5 =	sld [smem:$0x3FAF]  }
0x2b: {  	s6 =	sld [smem:$0x3FB0]  }
0x2c: {  	s7 =	sld [smem:$0x3FB1]  }
0x2d: {  	s3 =	simm.s32 $0x108;
	s8 =	sld [smem:$0x3FB2]  }
0x2e: {  	s3 =	simm.s32 @!p0 $0x1082;
	s9 =	sld [smem:$0x3FB3]  }
0x2f: {  	lr =	sadd.s32 s0, s3;
	s0 =	sld [smem:$0x3FAA]  }
0x30: {  	s3 =	sld [smem:$0x3FAD]  }
0x31: {  	[smem:$0x3FB6] =	sst s10  }
0x32: {  	s10 =	sld [smem:$0x3FB4];
	_ =	sdelay $0x3  }
0x33: {  	p0 =	seq.s32 s10, $0x1;
	s10 =	sld [smem:$0x3FB6];
	_ =	sdelay $0x3  }
0x34: {  	[smem:$0x3FB6] =	sst s10  }
0x35: {  	s10 =	sld [smem:$0x3FB5];
	_ =	sdelay $0x3  }
0x36: {  	p1 =	seq.s32 s10, $0x1;
	s10 =	sld [smem:$0x3FB6];
	_ =	sdelay $0x3  }
0x37: {  	[smem:$0x3FB6] =	sst s10  }
0x38: {  	s10 =	sld [smem:$0x3FB7]  }
0x39: {  	_ = 	snop;
	(pc) =	sbr.ind lr, $3  }
0x3a: {  	_ = 	snop  }
0x3b: {  	_ = 	snop  }
0x3c: {  	p2 =	seq.s32 s10, $0x1;
	s10 =	sld [smem:$0x3FB6]  }
0x3d: {  	_ =	shalt  }
0x3e: {  	_ =	shalt  }
0x3f: {  	_ =	shalt  }
0x40: {  	_ =	shalt  }
0x41: {  	_ =	shalt  }
0x42: {  	_ =	shalt  }
0x43: {  	_ =	shalt  }
0x44: {  	_ =	shalt  }
0x45: {  	_ =	shalt  }
0x46: {  	_ =	shalt  }
0x47: {  	_ =	shalt  }
0x48: {  	_ =	shalt  }
0x49: {  	_ =	shalt  }
0x4a: {  	_ =	shalt  }
0x4b: {  	_ =	shalt  }
0x4c: {  	_ =	shalt  }
0x4d: {  	_ =	shalt  }
0x4e: {  	_ =	shalt  }
0x4f: {  	_ =	shalt  }
0x50: {  	_ =	shalt  }
0x51: {  	_ =	shalt  }
0x52: {  	_ =	shalt  }
0x53: {  	_ =	shalt  }
0x54: {  	_ =	shalt  }
0x55: {  	_ =	shalt  }
0x56: {  	_ =	shalt  }
0x57: {  	_ =	shalt  }
0x58: {  	_ =	shalt  }
0x59: {  	_ =	shalt  }
0x5a: {  	_ =	shalt  }
0x5b: {  	_ =	shalt  }
0x5c: {  	_ =	shalt  }
0x5d: {  	_ =	shalt  }
0x5e: {  	_ =	shalt  }
0x5f: {  	_ =	shalt  }
0x60: {  	_ =	shalt  }
0x61: {  	_ =	shalt  }
0x62: {  	_ =	shalt  }
0x63: {  	_ =	shalt  }
0x64: {  	_ =	shalt  }
0x65: {  	_ =	shalt  }
0x66: {  	_ =	shalt  }
0x67: {  	_ =	shalt  }
0x68: {  	_ =	shalt  }
0x69: {  	_ =	shalt  }
0x6a: {  	_ =	shalt  }
0x6b: {  	_ =	shalt  }
0x6c: {  	_ =	shalt  }
0x6d: {  	_ =	shalt  }
0x6e: {  	_ =	shalt  }
0x6f: {  	_ =	shalt  }
0x70: {  	_ =	shalt  }
0x71: {  	_ =	shalt  }
0x72: {  	_ =	shalt  }
0x73: {  	_ =	shalt  }
0x74: {  	_ =	shalt  }
0x75: {  	_ =	shalt  }
0x76: {  	_ =	shalt  }
0x77: {  	_ =	shalt  }
0x78: {  	_ =	shalt  }
0x79: {  	_ =	shalt  }
0x7a: {  	_ =	shalt  }
0x7b: {  	_ =	shalt  }
0x7c: {  	_ =	shalt  }
0x7d: {  	_ =	shalt  }
0x7e: {  	_ =	shalt  }
0x7f: {  	_ =	shalt  }
0x80: {  	_ =	shalt  }
0x81: {  	_ =	shalt  }
0x82: {  	_ =	shalt  }
0x83: {  	_ =	shalt  }
0x84: {  	_ =	shalt  }
0x85: {  	_ =	shalt  }
0x86: {  	_ =	shalt  }
0x87: {  	_ =	shalt  }
.Lfunc_end0:
.L_simem_size_0:
called_computation_lowered:
.L_overlay_start_0:
0x88: {  	s2 =	sld [smem:$0x3FD9]  }
0x89: {  	s3 =	sld [smem:$0x3FFE];
	_ =	sdelay $0x1  }
0x8a: {  	s1 =	srdreg.scid  }
0x8b: {  	s0 =	sand.u32 $0x1, s1  }
0x8c: {  	s17 =	sshll.u32 s0, $0xA;
	s2 =	sadd.s32 s3, s2  }
0x8d: {  	s2 =	sadd.s32 s2, s17  }
0x8e: {  	[smem:$0x3FC2] =	sst s2  }
0x8f: {  	_ = 	snop  }
0x90: {  	s2 =	sld [smem:$0x3FD0];
	(tm) =	ssettm $0x1  }
0x91: {  	s18 =	sld [smem:$0x3FFB];
	_ =	sdelay $0x3  }
0x92: {  	_ =	strace s18  }
0x93: {  	s3 =	sld [smem:$0x3FFC];
	_ =	sdelay $0x3  }
0x94: {  	_ =	strace s3  }
0x95: {  	s3 =	sld [smem:$0x3FFD];
	_ =	sdelay $0x3  }
0x96: {  	_ =	strace s3  }
0x97: {  	_ =	strace $0x8FFFFFFF  }
0x98: {  	s19 =	sld [smem:$0x3FDB];
	_ =	sdelay $0x1  }
0x99: {  	s4 =	simm.s32 $_scs_section_size  }
0x9a: {  	s5 =	simm.s32 $_size__tile_overlayer_lowered;
	s6 =	simm.s32 $_tile_overlayer_lowered  }
0x9b: {  	s22 =	simm.s32 $0x1BFF;
	s21 =	sshll.u32 s6, $0x1;
	s3 =	sadd.s32 s4, s19  }
0x9c: {  	s7 =	simm.s32 $0x0;
	s20 =	sshll.u32 s5, $0x1;
	s5 =	sadd.s32 s21, s3  }
0x9d: {  	[timem:s7], [sflag:s22] =	dma.local [hbm:s5], s20  }
0x9e: {  	_ =	swait.ge [sflag:s22], s20  }
0x9f: {  	s4 =	ssub.s32 $0x0, s20;
	[sflag:s22] =	ssyncset.done $0x0  }
0xa0: {  	[sflag:s22] =	ssyncadd.s32 s4;
	_ =	sdelay $0x1  }
0xa1: {  	s23 =	simm.s32 $0x1B8B  }
0xa2: {  	_ =	swait.ge [sflag:s23], $0x1  }
0xa3: {  	[sflag:s23] =	ssyncset.done $0x0  }
0xa4: {  	s25 =	simm.s32 $0x1B8E;
	s24 =	sld [smem:$0x3FFE];
	[sflag:s23] =	ssyncadd.s32 $0xFFFFFFFF  }
0xa5: {  	s26 =	simm.s32 $execute0_lowered;
	[smem:$0x3FD2] =	sst s25  }
0xa6: {  	s5 =	sshll.u32 s26, $0x1;
	_ =	strace $0x80000046;
	[dreg:$0x1] =	wrdreg $0xFFFFFFFF  }
0xa7: {  	s28 =	simm.s32 $_size_execute0_lowered;
	s3 =	sadd.s32 s3, s5;
	[dreg:$0x0] =	wrdreg $0x0  }
0xa8: {  	s5 =	sshll.u32 s28, $0x1;
	[dreg:$0x2] =	wrdreg s3  }
0xa9: {  	[dreg:$0x3] =	wrdreg s5  }
0xaa: {  	[dreg:$0x4] =	wrdreg $0xC0  }
0xab: {  	_ =	task [dreg:s7], $0x5FFFF  }
0xac: {  	[dreg:$0x1] =	wrdreg $0xFFFFFFFF  }
0xad: {  	[dreg:$0x0] =	wrdreg $0x60  }
0xae: {  	[dreg:$0x2] =	wrdreg s2  }
0xaf: {  	[dreg:$0x3] =	wrdreg s24  }
0xb0: {  	[dreg:$0x4] =	wrdreg $0x9  }
0xb1: {  	_ =	task.clear_ibuf [dreg:s7], $0x5FFFF;
	_ =	strace $0x90000046  }
0xb2: {  	s29 =	simm.s32 $0x9;
	_ =	strace $0x80000048  }
0xb3: {  	_ =	swait.ge [sflag:s29], $0x1  }
0xb4: {  	[sflag:s29] =	ssyncadd.s32 $0xFFFFFFFF  }
0xb5: {  	_ =	strace $0x90000048  }
0xb6: {  	_ =	sfence  }
0xb7: {  	s30 =	sld [smem:$0x0];
	_ =	sdelay $0x2  }
0xb8: {  	s31 =	sshll.u32 s1, $0xD;
	s1 =	sshrl.u32 s1, $0x2  }
0xb9: {  	s3 =	sand.u32 $0x4000, s31;
	s1 =	sadd.s32 s1, s30  }
0xba: {  	s0 =	sor.u32 s3, s0;
	s1 =	sshll.u32 s1, $0x11  }
0xbb: {  	s0 =	sor.u32 s1, s0  }
0xbc: {  	s0 =	sadd.s32 $0x8F2B, s0  }
0xbd: {  	[sflag:s0] =	ssyncadd.remote.s32 $0x1  }
0xbe: {  	_ =	sfence.sel $0xFFFF  }
0xbf: {  	[dreg:$0x0] =	wrdreg $0xFFFFFFFF;
	(pc) =	sbr.abs _section_cstart, $3  }
0xc0: {  	[dreg:$0x1] =	wrdreg $0xFFFFFFFF  }
0xc1: {  	_ =	task.clear_ibuf [dreg:s7], $0x2FFFF;
	_ =	strace $0x9FFFFFFF  }
0xc2: {  	(tm) =	ssettm $0x7FFFFFFF  }
0xc3: {  	_ =	shalt  }
tec
execute0_lowered:
.L_overlay_start_1:
0x0: {  	(tag) =	ssettag $0x1  }
0x1: {  	s0 =	srdreg.scid;
	s2 =	stileid.u32  }
0x2: {  	s0 =	sand.u32 $0x1, s0;
	s2 =	sshll.u32 s2, $0x1  }
0x3: {  	s3 =	rddreg [dreg:$0x1];
	s4 =	sor.u32 s0, s2  }
0x4: {  	s1 =	rddreg [dreg:$0x0];
	s7 =	sadd.s32 $0xE00, s3;
	s5 =	smul.u32 $0x140, s4  }
0x5: {  	s2 =	simm.s32 $0x0;
	s0 =	ssub.s32 $0x2, s0;
	s6 =	smul.u32 $0x5000, s4  }
0x6: {  	[smem:$0x7FF] =	sst s2;
	s4 =	smul.u32 $0x28000, s4;
	s25 =	sshrl.u32 s0, $0x1  }
0x7: {  	_ =	strace $0x80000047;
	s1 =	sadd.s32 s1, s5;
	s23 =	sadd.s32 s7, s6  }
0x8: {  	s0 =	ssub.s32 s0, s25;
	[dreg:$0x3] =	wrdreg s1;
	s8 =	sadd.s32 $0x400, s23  }
0x9: {  	s4 =	sshrl.u32 s4, $0x3;
	s9 =	sadd.s32 $0x800, s23;
	[dreg:$0x4] =	wrdreg s8  }
0xa: {  	s0 =	smax.u32 s0, $0x1;
	s10 =	sadd.s32 $0xC00, s23;
	[dreg:$0x5] =	wrdreg s9  }
0xb: {  	s4 =	sadd.s32 s7, s4;
	p1 =	sne.s32 s0, $0x1;
	[dreg:$0x6] =	wrdreg s10  }
0xc: {  	s1 =	sadd.s32 $0xFFFFFFFF, s0;
	s11 =	sadd.s32 $0x1000, s4;
	s0 =	rddreg [dreg:$0x3]  }
0xd: {  	s12 =	sadd.s32 $0x1400, s4;
	[dreg:$0x7] =	wrdreg s11  }
0xe: {  	s31 =	simm.s32 $0x100;
	s13 =	sadd.s32 $0x1800, s4;
	[dreg:$0x8] =	wrdreg s12  }
0xf: {  	s30 =	simm.s32 $0x180;
	s14 =	sadd.s32 $0x1C00, s4;
	[dreg:$0x9] =	wrdreg s13  }
0x10: {  	s29 =	simm.s32 $0x200;
	s15 =	sadd.s32 $0x2000, s4;
	[dreg:$0xa] =	wrdreg s14  }
0x11: {  	s28 =	simm.s32 $0x280;
	s16 =	sadd.s32 $0x2400, s4;
	[dreg:$0xb] =	wrdreg s15  }
0x12: {  	p0 =	por $0x0, $0x0;
	s17 =	sadd.s32 $0x2800, s4;
	[dreg:$0xc] =	wrdreg s16  }
0x13: {  	s3 =	sadd.s32 $0xF43200, s3;
	s18 =	sadd.s32 $0x2C00, s4;
	[dreg:$0xd] =	wrdreg s17  }
0x14: {  	s25 =	simm.s32 $0x380;
	s19 =	sadd.s32 $0x3000, s4;
	[dreg:$0xe] =	wrdreg s18  }
0x15: {  	s6 =	simm.s32 $0x2A00;
	s20 =	sadd.s32 $0x3400, s4;
	[dreg:$0xf] =	wrdreg s19  }
0x16: {  	s21 =	sadd.s32 $0x3800, s4;
	s22 =	sadd.s32 $0x3C00, s4;
	[dreg:$0x10] =	wrdreg s20  }
0x17: {  	s24 =	sadd.s32 $0x4000, s4;
	s26 =	sadd.s32 $0x4400, s4;
	[dreg:$0x11] =	wrdreg s21  }
0x18: {  	s7 =	sadd.s32 $0x4800, s4;
	s5 =	sadd.s32 $0x4C00, s4;
	[dreg:$0x12] =	wrdreg s22  }
0x19: {  	s4 =	simm.s32 $0x3;
	s10 =	simm.s32 $0x80;
	[dreg:$0x13] =	wrdreg s24  }
0x1a: {  	s9 =	simm.s32 $0xA00;
	s8 =	simm.s32 $0x2;
	[dreg:$0x14] =	wrdreg s26  }
.Ltmp0:
0x1b: {  	s11 =	simm.s32 $0x1;
	s26 =	simm.s32 $0x300;
	(pc) =	sbr.rel @!p1 .LBB2_3-.Ltmp0, $4  }
0x1c: {  	s24 =	simm.s32 $0x400;
	s22 =	simm.s32 $0x480;
	s21 =	simm.s32 $0x500  }
0x1d: {  	s20 =	simm.s32 $0x580;
	s19 =	simm.s32 $0x600;
	s18 =	simm.s32 $0x680  }
0x1e: {  	s17 =	simm.s32 $0x700;
	s16 =	simm.s32 $0x780;
	s15 =	simm.s32 $0x800  }
0x1f: {  	s14 =	simm.s32 $0x880;
	s13 =	simm.s32 $0x900;
	s12 =	simm.s32 $0x980  }
0x20: {  	[tilespmem:s2], [sflag:$0x3] =	stream.linear.gather [hbm4b:s0+s2], $0xA00, $0x38;
	[tilespmem:$0x4A00] =	vst v63  }
0x21: {  	_ =	swait.ge [sflag:s4], $0xA00  }
0x22: {  	[sflag:s4] =	ssyncset.done $0x0  }
0x23: {  	[sflag:s4] =	ssyncadd.s32 $0xFFFFF600  }
0x24: {  	[tilespmem:s9], [sflag:$0x1] =	stream.indirect.gather [hbm4b:s3+s10], $0x40, s2, s10, $0xb8;
	[tilespmem:$0x4A00] =	vst v63  }
0x25: {  	_ = 	snop  }
0x26: {  	[tilespmem:s6], [sflag:$0x2] =	stream.indirect.gather [hbm4b:s3+s10], $0x40, s10, s10, $0xb8;
	[tilespmem:$0x4A00] =	vst v63  }
0x27: {  	_ =	swait.ge [sflag:s11], $0x2000  }
0x28: {  	[sflag:s11] =	ssyncset.done $0x0  }
0x29: {  	[sflag:s11] =	ssyncadd.s32 $0xFFFFE000  }
0x2a: {  	[hbm4b:s23+s2] =	stream.linear.scatter [tilespmem:s9], [sflag:$0x3], $0x2000, $0x38;
	[tilespmem:$0x4A00] =	vst v63  }
0x2b: {  	_ =	swait.ge [sflag:s4], $0x2000  }
0x2c: {  	[sflag:s4] =	ssyncset.done $0x0  }
0x2d: {  	[sflag:s4] =	ssyncadd.s32 $0xFFFFE000  }
0x2e: {  	[tilespmem:s9], [sflag:$0x1] =	stream.indirect.gather [hbm4b:s3+s10], $0x40, s31, s10, $0xb8;
	[tilespmem:$0x4A00] =	vst v63  }
0x2f: {  	_ =	swait.ge [sflag:s8], $0x2000  }
0x30: {  	[sflag:s8] =	ssyncset.done $0x0  }
0x31: {  	s0 =	rddreg [dreg:$0x4];
	[sflag:s8] =	ssyncadd.s32 $0xFFFFE000  }
0x32: {  	[hbm4b:s0+s2] =	stream.linear.scatter [tilespmem:s6], [sflag:$0x3], $0x2000, $0x38;
	[tilespmem:$0x4A00] =	vst v63  }
0x33: {  	_ =	swait.ge [sflag:s4], $0x2000  }
0x34: {  	[sflag:s4] =	ssyncset.done $0x0  }
0x35: {  	[sflag:s4] =	ssyncadd.s32 $0xFFFFE000  }
0x36: {  	[tilespmem:s6], [sflag:$0x2] =	stream.indirect.gather [hbm4b:s3+s10], $0x40, s30, s10, $0xb8;
	[tilespmem:$0x4A00] =	vst v63  }
0x37: {  	_ =	swait.ge [sflag:s11], $0x2000  }
0x38: {  	[sflag:s11] =	ssyncset.done $0x0  }
0x39: {  	s0 =	rddreg [dreg:$0x5];
	[sflag:s11] =	ssyncadd.s32 $0xFFFFE000  }
0x3a: {  	[hbm4b:s0+s2] =	stream.linear.scatter [tilespmem:s9], [sflag:$0x3], $0x2000, $0x38;
	[tilespmem:$0x4A00] =	vst v63  }
0x3b: {  	_ =	swait.ge [sflag:s4], $0x2000  }
0x3c: {  	[sflag:s4] =	ssyncset.done $0x0  }
0x3d: {  	[sflag:s4] =	ssyncadd.s32 $0xFFFFE000  }
0x3e: {  	[tilespmem:s9], [sflag:$0x1] =	stream.indirect.gather [hbm4b:s3+s10], $0x40, s29, s10, $0xb8;
	[tilespmem:$0x4A00] =	vst v63  }
0x3f: {  	_ =	swait.ge [sflag:s8], $0x2000  }
0x40: {  	[sflag:s8] =	ssyncset.done $0x0  }
0x41: {  	s0 =	rddreg [dreg:$0x6];
	[sflag:s8] =	ssyncadd.s32 $0xFFFFE000  }
0x42: {  	[hbm4b:s0+s2] =	stream.linear.scatter [tilespmem:s6], [sflag:$0x3], $0x2000, $0x38;
	[tilespmem:$0x4A00] =	vst v63  }
0x43: {  	_ =	swait.ge [sflag:s4], $0x2000  }
0x44: {  	[sflag:s4] =	ssyncset.done $0x0  }
0x45: {  	[sflag:s4] =	ssyncadd.s32 $0xFFFFE000  }
0x46: {  	[tilespmem:s6], [sflag:$0x2] =	stream.indirect.gather [hbm4b:s3+s10], $0x40, s28, s10, $0xb8;
	[tilespmem:$0x4A00] =	vst v63  }
0x47: {  	_ =	swait.ge [sflag:s11], $0x2000  }
0x48: {  	[sflag:s11] =	ssyncset.done $0x0  }
0x49: {  	s0 =	rddreg [dreg:$0x7];
	[sflag:s11] =	ssyncadd.s32 $0xFFFFE000  }
0x4a: {  	[hbm4b:s0+s2] =	stream.linear.scatter [tilespmem:s9], [sflag:$0x3], $0x2000, $0x38;
	[tilespmem:$0x4A00] =	vst v63  }
0x4b: {  	_ =	swait.ge [sflag:s4], $0x2000  }
0x4c: {  	[sflag:s4] =	ssyncset.done $0x0  }
0x4d: {  	[sflag:s4] =	ssyncadd.s32 $0xFFFFE000  }
0x4e: {  	[tilespmem:s9], [sflag:$0x1] =	stream.indirect.gather [hbm4b:s3+s10], $0x40, s26, s10, $0xb8;
	[tilespmem:$0x4A00] =	vst v63  }
0x4f: {  	_ =	swait.ge [sflag:s8], $0x2000  }
0x50: {  	[sflag:s8] =	ssyncset.done $0x0  }
0x51: {  	s0 =	rddreg [dreg:$0x8];
	[sflag:s8] =	ssyncadd.s32 $0xFFFFE000  }
0x52: {  	[hbm4b:s0+s2] =	stream.linear.scatter [tilespmem:s6], [sflag:$0x3], $0x2000, $0x38;
	[tilespmem:$0x4A00] =	vst v63  }
0x53: {  	_ =	swait.ge [sflag:s4], $0x2000  }
0x54: {  	[sflag:s4] =	ssyncset.done $0x0  }
0x55: {  	[sflag:s4] =	ssyncadd.s32 $0xFFFFE000  }
0x56: {  	[tilespmem:s6], [sflag:$0x2] =	stream.indirect.gather [hbm4b:s3+s10], $0x40, s25, s10, $0xb8;
	[tilespmem:$0x4A00] =	vst v63  }
0x57: {  	_ =	swait.ge [sflag:s11], $0x2000  }
0x58: {  	[sflag:s11] =	ssyncset.done $0x0  }
0x59: {  	s0 =	rddreg [dreg:$0x9];
	[sflag:s11] =	ssyncadd.s32 $0xFFFFE000  }
0x5a: {  	[hbm4b:s0+s2] =	stream.linear.scatter [tilespmem:s9], [sflag:$0x3], $0x2000, $0x38;
	[tilespmem:$0x4A00] =	vst v63  }
0x5b: {  	_ =	swait.ge [sflag:s4], $0x2000  }
0x5c: {  	[sflag:s4] =	ssyncset.done $0x0  }
0x5d: {  	[sflag:s4] =	ssyncadd.s32 $0xFFFFE000  }
0x5e: {  	[tilespmem:s9], [sflag:$0x1] =	stream.indirect.gather [hbm4b:s3+s10], $0x40, s24, s10, $0xb8;
	[tilespmem:$0x4A00] =	vst v63  }
0x5f: {  	_ =	swait.ge [sflag:s8], $0x2000  }
0x60: {  	[sflag:s8] =	ssyncset.done $0x0  }
0x61: {  	s0 =	rddreg [dreg:$0xa];
	[sflag:s8] =	ssyncadd.s32 $0xFFFFE000  }
0x62: {  	[hbm4b:s0+s2] =	stream.linear.scatter [tilespmem:s6], [sflag:$0x3], $0x2000, $0x38;
	[tilespmem:$0x4A00] =	vst v63  }
0x63: {  	_ =	swait.ge [sflag:s4], $0x2000  }
0x64: {  	[sflag:s4] =	ssyncset.done $0x0  }
0x65: {  	[sflag:s4] =	ssyncadd.s32 $0xFFFFE000  }
0x66: {  	[tilespmem:s6], [sflag:$0x2] =	stream.indirect.gather [hbm4b:s3+s10], $0x40, s22, s10, $0xb8;
	[tilespmem:$0x4A00] =	vst v63  }
0x67: {  	_ =	swait.ge [sflag:s11], $0x2000  }
0x68: {  	[sflag:s11] =	ssyncset.done $0x0  }
0x69: {  	s0 =	rddreg [dreg:$0xb];
	[sflag:s11] =	ssyncadd.s32 $0xFFFFE000  }
0x6a: {  	[hbm4b:s0+s2] =	stream.linear.scatter [tilespmem:s9], [sflag:$0x3], $0x2000, $0x38;
	[tilespmem:$0x4A00] =	vst v63  }
0x6b: {  	_ =	swait.ge [sflag:s4], $0x2000  }
0x6c: {  	[sflag:s4] =	ssyncset.done $0x0  }
0x6d: {  	[sflag:s4] =	ssyncadd.s32 $0xFFFFE000  }
0x6e: {  	[tilespmem:s9], [sflag:$0x1] =	stream.indirect.gather [hbm4b:s3+s10], $0x40, s21, s10, $0xb8;
	[tilespmem:$0x4A00] =	vst v63  }
0x6f: {  	_ =	swait.ge [sflag:s8], $0x2000  }
0x70: {  	[sflag:s8] =	ssyncset.done $0x0  }
0x71: {  	s0 =	rddreg [dreg:$0xc];
	[sflag:s8] =	ssyncadd.s32 $0xFFFFE000  }
0x72: {  	[hbm4b:s0+s2] =	stream.linear.scatter [tilespmem:s6], [sflag:$0x3], $0x2000, $0x38;
	[tilespmem:$0x4A00] =	vst v63  }
0x73: {  	_ =	swait.ge [sflag:s4], $0x2000  }
0x74: {  	[sflag:s4] =	ssyncset.done $0x0  }
0x75: {  	[sflag:s4] =	ssyncadd.s32 $0xFFFFE000  }
0x76: {  	[tilespmem:s6], [sflag:$0x2] =	stream.indirect.gather [hbm4b:s3+s10], $0x40, s20, s10, $0xb8;
	[tilespmem:$0x4A00] =	vst v63  }
0x77: {  	_ =	swait.ge [sflag:s11], $0x2000  }
0x78: {  	[sflag:s11] =	ssyncset.done $0x0  }
0x79: {  	s0 =	rddreg [dreg:$0xd];
	[sflag:s11] =	ssyncadd.s32 $0xFFFFE000  }
0x7a: {  	[hbm4b:s0+s2] =	stream.linear.scatter [tilespmem:s9], [sflag:$0x3], $0x2000, $0x38;
	[tilespmem:$0x4A00] =	vst v63  }
0x7b: {  	_ =	swait.ge [sflag:s4], $0x2000  }
0x7c: {  	[sflag:s4] =	ssyncset.done $0x0  }
0x7d: {  	[sflag:s4] =	ssyncadd.s32 $0xFFFFE000  }
0x7e: {  	[tilespmem:s9], [sflag:$0x1] =	stream.indirect.gather [hbm4b:s3+s10], $0x40, s19, s10, $0xb8;
	[tilespmem:$0x4A00] =	vst v63  }
0x7f: {  	_ =	swait.ge [sflag:s8], $0x2000  }
0x80: {  	[sflag:s8] =	ssyncset.done $0x0  }
0x81: {  	s0 =	rddreg [dreg:$0xe];
	[sflag:s8] =	ssyncadd.s32 $0xFFFFE000  }
0x82: {  	[hbm4b:s0+s2] =	stream.linear.scatter [tilespmem:s6], [sflag:$0x3], $0x2000, $0x38;
	[tilespmem:$0x4A00] =	vst v63  }
0x83: {  	_ =	swait.ge [sflag:s4], $0x2000  }
0x84: {  	[sflag:s4] =	ssyncset.done $0x0  }
0x85: {  	[sflag:s4] =	ssyncadd.s32 $0xFFFFE000  }
0x86: {  	[tilespmem:s6], [sflag:$0x2] =	stream.indirect.gather [hbm4b:s3+s10], $0x40, s18, s10, $0xb8;
	[tilespmem:$0x4A00] =	vst v63  }
0x87: {  	_ =	swait.ge [sflag:s11], $0x2000  }
0x88: {  	[sflag:s11] =	ssyncset.done $0x0  }
0x89: {  	s0 =	rddreg [dreg:$0xf];
	[sflag:s11] =	ssyncadd.s32 $0xFFFFE000  }
0x8a: {  	[hbm4b:s0+s2] =	stream.linear.scatter [tilespmem:s9], [sflag:$0x3], $0x2000, $0x38;
	[tilespmem:$0x4A00] =	vst v63  }
0x8b: {  	_ =	swait.ge [sflag:s4], $0x2000  }
0x8c: {  	[sflag:s4] =	ssyncset.done $0x0  }
0x8d: {  	[sflag:s4] =	ssyncadd.s32 $0xFFFFE000  }
0x8e: {  	[tilespmem:s9], [sflag:$0x1] =	stream.indirect.gather [hbm4b:s3+s10], $0x40, s17, s10, $0xb8;
	[tilespmem:$0x4A00] =	vst v63  }
0x8f: {  	_ =	swait.ge [sflag:s8], $0x2000  }
0x90: {  	[sflag:s8] =	ssyncset.done $0x0  }
0x91: {  	s0 =	rddreg [dreg:$0x10];
	[sflag:s8] =	ssyncadd.s32 $0xFFFFE000  }
0x92: {  	[hbm4b:s0+s2] =	stream.linear.scatter [tilespmem:s6], [sflag:$0x3], $0x2000, $0x38;
	[tilespmem:$0x4A00] =	vst v63  }
0x93: {  	_ =	swait.ge [sflag:s4], $0x2000  }
0x94: {  	[sflag:s4] =	ssyncset.done $0x0  }
0x95: {  	[sflag:s4] =	ssyncadd.s32 $0xFFFFE000  }
0x96: {  	[tilespmem:s6], [sflag:$0x2] =	stream.indirect.gather [hbm4b:s3+s10], $0x40, s16, s10, $0xb8;
	[tilespmem:$0x4A00] =	vst v63  }
0x97: {  	_ =	swait.ge [sflag:s11], $0x2000  }
0x98: {  	[sflag:s11] =	ssyncset.done $0x0  }
0x99: {  	s0 =	rddreg [dreg:$0x11];
	[sflag:s11] =	ssyncadd.s32 $0xFFFFE000  }
0x9a: {  	[hbm4b:s0+s2] =	stream.linear.scatter [tilespmem:s9], [sflag:$0x3], $0x2000, $0x38;
	[tilespmem:$0x4A00] =	vst v63  }
0x9b: {  	_ =	swait.ge [sflag:s4], $0x2000  }
0x9c: {  	[sflag:s4] =	ssyncset.done $0x0  }
0x9d: {  	[sflag:s4] =	ssyncadd.s32 $0xFFFFE000  }
0x9e: {  	[tilespmem:s9], [sflag:$0x1] =	stream.indirect.gather [hbm4b:s3+s10], $0x40, s15, s10, $0xb8;
	[tilespmem:$0x4A00] =	vst v63  }
0x9f: {  	_ =	swait.ge [sflag:s8], $0x2000  }
0xa0: {  	[sflag:s8] =	ssyncset.done $0x0  }
0xa1: {  	s0 =	rddreg [dreg:$0x12];
	[sflag:s8] =	ssyncadd.s32 $0xFFFFE000  }
0xa2: {  	[hbm4b:s0+s2] =	stream.linear.scatter [tilespmem:s6], [sflag:$0x3], $0x2000, $0x38;
	[tilespmem:$0x4A00] =	vst v63  }
0xa3: {  	_ =	swait.ge [sflag:s4], $0x2000  }
0xa4: {  	[sflag:s4] =	ssyncset.done $0x0  }
0xa5: {  	[sflag:s4] =	ssyncadd.s32 $0xFFFFE000  }
0xa6: {  	[tilespmem:s6], [sflag:$0x2] =	stream.indirect.gather [hbm4b:s3+s10], $0x40, s14, s10, $0xb8;
	[tilespmem:$0x4A00] =	vst v63  }
0xa7: {  	_ =	swait.ge [sflag:s11], $0x2000  }
0xa8: {  	[sflag:s11] =	ssyncset.done $0x0  }
0xa9: {  	s0 =	rddreg [dreg:$0x13];
	[sflag:s11] =	ssyncadd.s32 $0xFFFFE000  }
0xaa: {  	[hbm4b:s0+s2] =	stream.linear.scatter [tilespmem:s9], [sflag:$0x3], $0x2000, $0x38;
	[tilespmem:$0x4A00] =	vst v63  }
0xab: {  	_ =	swait.ge [sflag:s4], $0x2000  }
0xac: {  	[sflag:s4] =	ssyncset.done $0x0  }
0xad: {  	[sflag:s4] =	ssyncadd.s32 $0xFFFFE000  }
0xae: {  	[tilespmem:s9], [sflag:$0x1] =	stream.indirect.gather [hbm4b:s3+s10], $0x40, s13, s10, $0xb8;
	[tilespmem:$0x4A00] =	vst v63  }
0xaf: {  	_ =	swait.ge [sflag:s8], $0x2000  }
0xb0: {  	[sflag:s8] =	ssyncset.done $0x0  }
0xb1: {  	s0 =	rddreg [dreg:$0x14];
	[sflag:s8] =	ssyncadd.s32 $0xFFFFE000  }
0xb2: {  	[hbm4b:s0+s2] =	stream.linear.scatter [tilespmem:s6], [sflag:$0x3], $0x2000, $0x38;
	[tilespmem:$0x4A00] =	vst v63  }
0xb3: {  	_ =	swait.ge [sflag:s4], $0x2000  }
0xb4: {  	[sflag:s4] =	ssyncset.done $0x0  }
0xb5: {  	[sflag:s4] =	ssyncadd.s32 $0xFFFFE000  }
0xb6: {  	[tilespmem:s6], [sflag:$0x2] =	stream.indirect.gather [hbm4b:s3+s10], $0x40, s12, s10, $0xb8;
	[tilespmem:$0x4A00] =	vst v63  }
0xb7: {  	_ =	swait.ge [sflag:s11], $0x2000  }
0xb8: {  	[sflag:s11] =	ssyncset.done $0x0  }
0xb9: {  	[sflag:s11] =	ssyncadd.s32 $0xFFFFE000  }
0xba: {  	[hbm4b:s7+s2] =	stream.linear.scatter [tilespmem:s9], [sflag:$0x3], $0x2000, $0x38;
	[tilespmem:$0x4A00] =	vst v63  }
0xbb: {  	_ =	swait.ge [sflag:s4], $0x2000  }
0xbc: {  	[sflag:s4] =	ssyncset.done $0x0  }
0xbd: {  	[sflag:s4] =	ssyncadd.s32 $0xFFFFE000  }
0xbe: {  	p1 =	sne.s32 s1, $0x1;
	_ =	swait.ge [sflag:s8], $0x2000  }
.Ltmp1:
0xbf: {  	[sflag:s8] =	ssyncset.done $0x0;
	(pc) =	sbr.rel @!p1 .LBB2_3-.Ltmp1, $4  }
0xc0: {  	[sflag:s8] =	ssyncadd.s32 $0xFFFFE000  }
0xc1: {  	[hbm4b:s5+s2] =	stream.linear.scatter [tilespmem:s6], [sflag:$0x3], $0x2000, $0x38;
	[tilespmem:$0x4A00] =	vst v63  }
0xc2: {  	s1 =	sadd.s32 $0xFFFFFFFF, s1;
	_ =	swait.ge [sflag:s4], $0x2000  }
0xc3: {  	p0 =	por $0x1, $0x1;
	s0 =	rddreg [dreg:$0x3];
	[sflag:s4] =	ssyncset.done $0x0  }
.LBB2_2:
0xc4: {  	[sflag:s4] =	ssyncadd.s32 $0xFFFFE000  }
0xc5: {  	[tilespmem:s2], [sflag:$0x3] =	stream.linear.gather [hbm4b:s0+s2], $0xA00, $0x38;
	[tilespmem:$0x4A00] =	vst v63  }
0xc6: {  	_ =	swait.ge [sflag:s4], $0xA00  }
0xc7: {  	[sflag:s4] =	ssyncset.done $0x0  }
0xc8: {  	[sflag:s4] =	ssyncadd.s32 $0xFFFFF600  }
0xc9: {  	[tilespmem:s9], [sflag:$0x1] =	stream.indirect.gather [hbm4b:s3+s10], $0x40, s2, s10, $0xb8;
	[tilespmem:$0x4A00] =	vst v63  }
0xca: {  	_ = 	snop  }
0xcb: {  	[tilespmem:s6], [sflag:$0x2] =	stream.indirect.gather [hbm4b:s3+s10], $0x40, s10, s10, $0xb8;
	[tilespmem:$0x4A00] =	vst v63  }
0xcc: {  	_ =	swait.ge [sflag:s11], $0x2000  }
0xcd: {  	[sflag:s11] =	ssyncset.done $0x0  }
0xce: {  	[sflag:s11] =	ssyncadd.s32 $0xFFFFE000  }
0xcf: {  	[hbm4b:s23+s2] =	stream.linear.scatter [tilespmem:s9], [sflag:$0x3], $0x2000, $0x38;
	[tilespmem:$0x4A00] =	vst v63  }
0xd0: {  	_ =	swait.ge [sflag:s4], $0x2000  }
0xd1: {  	[sflag:s4] =	ssyncset.done $0x0  }
0xd2: {  	[sflag:s4] =	ssyncadd.s32 $0xFFFFE000  }
0xd3: {  	[tilespmem:s9], [sflag:$0x1] =	stream.indirect.gather [hbm4b:s3+s10], $0x40, s31, s10, $0xb8;
	[tilespmem:$0x4A00] =	vst v63  }
0xd4: {  	_ =	swait.ge [sflag:s8], $0x2000  }
0xd5: {  	[sflag:s8] =	ssyncset.done $0x0  }
0xd6: {  	s0 =	rddreg [dreg:$0x4];
	[sflag:s8] =	ssyncadd.s32 $0xFFFFE000  }
0xd7: {  	[hbm4b:s0+s2] =	stream.linear.scatter [tilespmem:s6], [sflag:$0x3], $0x2000, $0x38;
	[tilespmem:$0x4A00] =	vst v63  }
0xd8: {  	_ =	swait.ge [sflag:s4], $0x2000  }
0xd9: {  	[sflag:s4] =	ssyncset.done $0x0  }
0xda: {  	[sflag:s4] =	ssyncadd.s32 $0xFFFFE000  }
0xdb: {  	[tilespmem:s6], [sflag:$0x2] =	stream.indirect.gather [hbm4b:s3+s10], $0x40, s30, s10, $0xb8;
	[tilespmem:$0x4A00] =	vst v63  }
0xdc: {  	_ =	swait.ge [sflag:s11], $0x2000  }
0xdd: {  	[sflag:s11] =	ssyncset.done $0x0  }
0xde: {  	s0 =	rddreg [dreg:$0x5];
	[sflag:s11] =	ssyncadd.s32 $0xFFFFE000  }
0xdf: {  	[hbm4b:s0+s2] =	stream.linear.scatter [tilespmem:s9], [sflag:$0x3], $0x2000, $0x38;
	[tilespmem:$0x4A00] =	vst v63  }
0xe0: {  	_ =	swait.ge [sflag:s4], $0x2000  }
0xe1: {  	[sflag:s4] =	ssyncset.done $0x0  }
0xe2: {  	[sflag:s4] =	ssyncadd.s32 $0xFFFFE000  }
0xe3: {  	[tilespmem:s9], [sflag:$0x1] =	stream.indirect.gather [hbm4b:s3+s10], $0x40, s29, s10, $0xb8;
	[tilespmem:$0x4A00] =	vst v63  }
0xe4: {  	_ =	swait.ge [sflag:s8], $0x2000  }
0xe5: {  	[sflag:s8] =	ssyncset.done $0x0  }
0xe6: {  	s0 =	rddreg [dreg:$0x6];
	[sflag:s8] =	ssyncadd.s32 $0xFFFFE000  }
0xe7: {  	[hbm4b:s0+s2] =	stream.linear.scatter [tilespmem:s6], [sflag:$0x3], $0x2000, $0x38;
	[tilespmem:$0x4A00] =	vst v63  }
0xe8: {  	_ =	swait.ge [sflag:s4], $0x2000  }
0xe9: {  	[sflag:s4] =	ssyncset.done $0x0  }
0xea: {  	[sflag:s4] =	ssyncadd.s32 $0xFFFFE000  }
0xeb: {  	[tilespmem:s6], [sflag:$0x2] =	stream.indirect.gather [hbm4b:s3+s10], $0x40, s28, s10, $0xb8;
	[tilespmem:$0x4A00] =	vst v63  }
0xec: {  	_ =	swait.ge [sflag:s11], $0x2000  }
0xed: {  	[sflag:s11] =	ssyncset.done $0x0  }
0xee: {  	s0 =	rddreg [dreg:$0x7];
	[sflag:s11] =	ssyncadd.s32 $0xFFFFE000  }
0xef: {  	[hbm4b:s0+s2] =	stream.linear.scatter [tilespmem:s9], [sflag:$0x3], $0x2000, $0x38;
	[tilespmem:$0x4A00] =	vst v63  }
0xf0: {  	_ =	swait.ge [sflag:s4], $0x2000  }
0xf1: {  	[sflag:s4] =	ssyncset.done $0x0  }
0xf2: {  	[sflag:s4] =	ssyncadd.s32 $0xFFFFE000  }
0xf3: {  	[tilespmem:s9], [sflag:$0x1] =	stream.indirect.gather [hbm4b:s3+s10], $0x40, s26, s10, $0xb8;
	[tilespmem:$0x4A00] =	vst v63  }
0xf4: {  	_ =	swait.ge [sflag:s8], $0x2000  }
0xf5: {  	[sflag:s8] =	ssyncset.done $0x0  }
0xf6: {  	s0 =	rddreg [dreg:$0x8];
	[sflag:s8] =	ssyncadd.s32 $0xFFFFE000  }
0xf7: {  	[hbm4b:s0+s2] =	stream.linear.scatter [tilespmem:s6], [sflag:$0x3], $0x2000, $0x38;
	[tilespmem:$0x4A00] =	vst v63  }
0xf8: {  	_ =	swait.ge [sflag:s4], $0x2000  }
0xf9: {  	[sflag:s4] =	ssyncset.done $0x0  }
0xfa: {  	[sflag:s4] =	ssyncadd.s32 $0xFFFFE000  }
0xfb: {  	[tilespmem:s6], [sflag:$0x2] =	stream.indirect.gather [hbm4b:s3+s10], $0x40, s25, s10, $0xb8;
	[tilespmem:$0x4A00] =	vst v63  }
0xfc: {  	_ =	swait.ge [sflag:s11], $0x2000  }
0xfd: {  	[sflag:s11] =	ssyncset.done $0x0  }
0xfe: {  	s0 =	rddreg [dreg:$0x9];
	[sflag:s11] =	ssyncadd.s32 $0xFFFFE000  }
0xff: {  	[hbm4b:s0+s2] =	stream.linear.scatter [tilespmem:s9], [sflag:$0x3], $0x2000, $0x38;
	[tilespmem:$0x4A00] =	vst v63  }
0x100: {  	_ =	swait.ge [sflag:s4], $0x2000  }
0x101: {  	[sflag:s4] =	ssyncset.done $0x0  }
0x102: {  	[sflag:s4] =	ssyncadd.s32 $0xFFFFE000  }
0x103: {  	[tilespmem:s9], [sflag:$0x1] =	stream.indirect.gather [hbm4b:s3+s10], $0x40, s24, s10, $0xb8;
	[tilespmem:$0x4A00] =	vst v63  }
0x104: {  	_ =	swait.ge [sflag:s8], $0x2000  }
0x105: {  	[sflag:s8] =	ssyncset.done $0x0  }
0x106: {  	s0 =	rddreg [dreg:$0xa];
	[sflag:s8] =	ssyncadd.s32 $0xFFFFE000  }
0x107: {  	[hbm4b:s0+s2] =	stream.linear.scatter [tilespmem:s6], [sflag:$0x3], $0x2000, $0x38;
	[tilespmem:$0x4A00] =	vst v63  }
0x108: {  	_ =	swait.ge [sflag:s4], $0x2000  }
0x109: {  	[sflag:s4] =	ssyncset.done $0x0  }
0x10a: {  	[sflag:s4] =	ssyncadd.s32 $0xFFFFE000  }
0x10b: {  	[tilespmem:s6], [sflag:$0x2] =	stream.indirect.gather [hbm4b:s3+s10], $0x40, s22, s10, $0xb8;
	[tilespmem:$0x4A00] =	vst v63  }
0x10c: {  	_ =	swait.ge [sflag:s11], $0x2000  }
0x10d: {  	[sflag:s11] =	ssyncset.done $0x0  }
0x10e: {  	s0 =	rddreg [dreg:$0xb];
	[sflag:s11] =	ssyncadd.s32 $0xFFFFE000  }
0x10f: {  	[hbm4b:s0+s2] =	stream.linear.scatter [tilespmem:s9], [sflag:$0x3], $0x2000, $0x38;
	[tilespmem:$0x4A00] =	vst v63  }
0x110: {  	_ =	swait.ge [sflag:s4], $0x2000  }
0x111: {  	[sflag:s4] =	ssyncset.done $0x0  }
0x112: {  	[sflag:s4] =	ssyncadd.s32 $0xFFFFE000  }
0x113: {  	[tilespmem:s9], [sflag:$0x1] =	stream.indirect.gather [hbm4b:s3+s10], $0x40, s21, s10, $0xb8;
	[tilespmem:$0x4A00] =	vst v63  }
0x114: {  	_ =	swait.ge [sflag:s8], $0x2000  }
0x115: {  	[sflag:s8] =	ssyncset.done $0x0  }
0x116: {  	s0 =	rddreg [dreg:$0xc];
	[sflag:s8] =	ssyncadd.s32 $0xFFFFE000  }
0x117: {  	[hbm4b:s0+s2] =	stream.linear.scatter [tilespmem:s6], [sflag:$0x3], $0x2000, $0x38;
	[tilespmem:$0x4A00] =	vst v63  }
0x118: {  	_ =	swait.ge [sflag:s4], $0x2000  }
0x119: {  	[sflag:s4] =	ssyncset.done $0x0  }
0x11a: {  	[sflag:s4] =	ssyncadd.s32 $0xFFFFE000  }
0x11b: {  	[tilespmem:s6], [sflag:$0x2] =	stream.indirect.gather [hbm4b:s3+s10], $0x40, s20, s10, $0xb8;
	[tilespmem:$0x4A00] =	vst v63  }
0x11c: {  	_ =	swait.ge [sflag:s11], $0x2000  }
0x11d: {  	[sflag:s11] =	ssyncset.done $0x0  }
0x11e: {  	s0 =	rddreg [dreg:$0xd];
	[sflag:s11] =	ssyncadd.s32 $0xFFFFE000  }
0x11f: {  	[hbm4b:s0+s2] =	stream.linear.scatter [tilespmem:s9], [sflag:$0x3], $0x2000, $0x38;
	[tilespmem:$0x4A00] =	vst v63  }
0x120: {  	_ =	swait.ge [sflag:s4], $0x2000  }
0x121: {  	[sflag:s4] =	ssyncset.done $0x0  }
0x122: {  	[sflag:s4] =	ssyncadd.s32 $0xFFFFE000  }
0x123: {  	[tilespmem:s9], [sflag:$0x1] =	stream.indirect.gather [hbm4b:s3+s10], $0x40, s19, s10, $0xb8;
	[tilespmem:$0x4A00] =	vst v63  }
0x124: {  	_ =	swait.ge [sflag:s8], $0x2000  }
0x125: {  	[sflag:s8] =	ssyncset.done $0x0  }
0x126: {  	s0 =	rddreg [dreg:$0xe];
	[sflag:s8] =	ssyncadd.s32 $0xFFFFE000  }
0x127: {  	[hbm4b:s0+s2] =	stream.linear.scatter [tilespmem:s6], [sflag:$0x3], $0x2000, $0x38;
	[tilespmem:$0x4A00] =	vst v63  }
0x128: {  	_ =	swait.ge [sflag:s4], $0x2000  }
0x129: {  	[sflag:s4] =	ssyncset.done $0x0  }
0x12a: {  	[sflag:s4] =	ssyncadd.s32 $0xFFFFE000  }
0x12b: {  	[tilespmem:s6], [sflag:$0x2] =	stream.indirect.gather [hbm4b:s3+s10], $0x40, s18, s10, $0xb8;
	[tilespmem:$0x4A00] =	vst v63  }
0x12c: {  	_ =	swait.ge [sflag:s11], $0x2000  }
0x12d: {  	[sflag:s11] =	ssyncset.done $0x0  }
0x12e: {  	s0 =	rddreg [dreg:$0xf];
	[sflag:s11] =	ssyncadd.s32 $0xFFFFE000  }
0x12f: {  	[hbm4b:s0+s2] =	stream.linear.scatter [tilespmem:s9], [sflag:$0x3], $0x2000, $0x38;
	[tilespmem:$0x4A00] =	vst v63  }
0x130: {  	_ =	swait.ge [sflag:s4], $0x2000  }
0x131: {  	[sflag:s4] =	ssyncset.done $0x0  }
0x132: {  	[sflag:s4] =	ssyncadd.s32 $0xFFFFE000  }
0x133: {  	[tilespmem:s9], [sflag:$0x1] =	stream.indirect.gather [hbm4b:s3+s10], $0x40, s17, s10, $0xb8;
	[tilespmem:$0x4A00] =	vst v63  }
0x134: {  	_ =	swait.ge [sflag:s8], $0x2000  }
0x135: {  	[sflag:s8] =	ssyncset.done $0x0  }
0x136: {  	s0 =	rddreg [dreg:$0x10];
	[sflag:s8] =	ssyncadd.s32 $0xFFFFE000  }
0x137: {  	[hbm4b:s0+s2] =	stream.linear.scatter [tilespmem:s6], [sflag:$0x3], $0x2000, $0x38;
	[tilespmem:$0x4A00] =	vst v63  }
0x138: {  	_ =	swait.ge [sflag:s4], $0x2000  }
0x139: {  	[sflag:s4] =	ssyncset.done $0x0  }
0x13a: {  	[sflag:s4] =	ssyncadd.s32 $0xFFFFE000  }
0x13b: {  	[tilespmem:s6], [sflag:$0x2] =	stream.indirect.gather [hbm4b:s3+s10], $0x40, s16, s10, $0xb8;
	[tilespmem:$0x4A00] =	vst v63  }
0x13c: {  	_ =	swait.ge [sflag:s11], $0x2000  }
0x13d: {  	[sflag:s11] =	ssyncset.done $0x0  }
0x13e: {  	s0 =	rddreg [dreg:$0x11];
	[sflag:s11] =	ssyncadd.s32 $0xFFFFE000  }
0x13f: {  	[hbm4b:s0+s2] =	stream.linear.scatter [tilespmem:s9], [sflag:$0x3], $0x2000, $0x38;
	[tilespmem:$0x4A00] =	vst v63  }
0x140: {  	_ =	swait.ge [sflag:s4], $0x2000  }
0x141: {  	[sflag:s4] =	ssyncset.done $0x0  }
0x142: {  	[sflag:s4] =	ssyncadd.s32 $0xFFFFE000  }
0x143: {  	[tilespmem:s9], [sflag:$0x1] =	stream.indirect.gather [hbm4b:s3+s10], $0x40, s15, s10, $0xb8;
	[tilespmem:$0x4A00] =	vst v63  }
0x144: {  	_ =	swait.ge [sflag:s8], $0x2000  }
0x145: {  	[sflag:s8] =	ssyncset.done $0x0  }
0x146: {  	s0 =	rddreg [dreg:$0x12];
	[sflag:s8] =	ssyncadd.s32 $0xFFFFE000  }
0x147: {  	[hbm4b:s0+s2] =	stream.linear.scatter [tilespmem:s6], [sflag:$0x3], $0x2000, $0x38;
	[tilespmem:$0x4A00] =	vst v63  }
0x148: {  	_ =	swait.ge [sflag:s4], $0x2000  }
0x149: {  	[sflag:s4] =	ssyncset.done $0x0  }
0x14a: {  	[sflag:s4] =	ssyncadd.s32 $0xFFFFE000  }
0x14b: {  	[tilespmem:s6], [sflag:$0x2] =	stream.indirect.gather [hbm4b:s3+s10], $0x40, s14, s10, $0xb8;
	[tilespmem:$0x4A00] =	vst v63  }
0x14c: {  	_ =	swait.ge [sflag:s11], $0x2000  }
0x14d: {  	[sflag:s11] =	ssyncset.done $0x0  }
0x14e: {  	s0 =	rddreg [dreg:$0x13];
	[sflag:s11] =	ssyncadd.s32 $0xFFFFE000  }
0x14f: {  	[hbm4b:s0+s2] =	stream.linear.scatter [tilespmem:s9], [sflag:$0x3], $0x2000, $0x38;
	[tilespmem:$0x4A00] =	vst v63  }
0x150: {  	_ =	swait.ge [sflag:s4], $0x2000  }
0x151: {  	[sflag:s4] =	ssyncset.done $0x0  }
0x152: {  	[sflag:s4] =	ssyncadd.s32 $0xFFFFE000  }
0x153: {  	[tilespmem:s9], [sflag:$0x1] =	stream.indirect.gather [hbm4b:s3+s10], $0x40, s13, s10, $0xb8;
	[tilespmem:$0x4A00] =	vst v63  }
0x154: {  	_ =	swait.ge [sflag:s8], $0x2000  }
0x155: {  	[sflag:s8] =	ssyncset.done $0x0  }
0x156: {  	s0 =	rddreg [dreg:$0x14];
	[sflag:s8] =	ssyncadd.s32 $0xFFFFE000  }
0x157: {  	[hbm4b:s0+s2] =	stream.linear.scatter [tilespmem:s6], [sflag:$0x3], $0x2000, $0x38;
	[tilespmem:$0x4A00] =	vst v63  }
0x158: {  	_ =	swait.ge [sflag:s4], $0x2000  }
0x159: {  	[sflag:s4] =	ssyncset.done $0x0  }
0x15a: {  	[sflag:s4] =	ssyncadd.s32 $0xFFFFE000  }
0x15b: {  	[tilespmem:s6], [sflag:$0x2] =	stream.indirect.gather [hbm4b:s3+s10], $0x40, s12, s10, $0xb8;
	[tilespmem:$0x4A00] =	vst v63  }
0x15c: {  	_ =	swait.ge [sflag:s11], $0x2000  }
0x15d: {  	[sflag:s11] =	ssyncset.done $0x0  }
0x15e: {  	[sflag:s11] =	ssyncadd.s32 $0xFFFFE000  }
0x15f: {  	[hbm4b:s7+s2] =	stream.linear.scatter [tilespmem:s9], [sflag:$0x3], $0x2000, $0x38;
	[tilespmem:$0x4A00] =	vst v63  }
0x160: {  	_ =	swait.ge [sflag:s4], $0x2000  }
0x161: {  	[sflag:s4] =	ssyncset.done $0x0  }
0x162: {  	[sflag:s4] =	ssyncadd.s32 $0xFFFFE000  }
0x163: {  	p1 =	sne.s32 s1, $0x1;
	_ =	swait.ge [sflag:s8], $0x2000  }
.Ltmp2:
0x164: {  	[sflag:s8] =	ssyncset.done $0x0;
	(pc) =	sbr.rel @p1 .LBB2_2-.Ltmp2, $4  }
0x165: {  	[sflag:s8] =	ssyncadd.s32 $0xFFFFE000  }
0x166: {  	[hbm4b:s5+s2] =	stream.linear.scatter [tilespmem:s6], [sflag:$0x3], $0x2000, $0x38;
	[tilespmem:$0x4A00] =	vst v63  }
0x167: {  	_ =	swait.ge [sflag:s4], $0x2000  }
0x168: {  	s1 =	sadd.s32 $0xFFFFFFFF, s1;
	s0 =	rddreg [dreg:$0x3];
	[sflag:s4] =	ssyncset.done $0x0  }
.LBB2_3:
0x169: {  	[sflag:s4] =	ssyncadd.s32 @p0 $0xFFFFE000  }
0x16a: {  	[tilespmem:s2], [sflag:$0x3] =	stream.linear.gather [hbm4b:s0+s2], $0xA00, $0x38;
	[tilespmem:$0x4A00] =	vst v63  }
0x16b: {  	_ =	swait.ge [sflag:s4], $0xA00  }
0x16c: {  	[sflag:s4] =	ssyncset.done $0x0  }
0x16d: {  	[sflag:s4] =	ssyncadd.s32 $0xFFFFF600  }
0x16e: {  	[tilespmem:s9], [sflag:$0x1] =	stream.indirect.gather [hbm4b:s3+s10], $0x40, s2, s10, $0xb8;
	[tilespmem:$0x4A00] =	vst v63  }
0x16f: {  	_ = 	snop  }
0x170: {  	[tilespmem:s6], [sflag:$0x2] =	stream.indirect.gather [hbm4b:s3+s10], $0x40, s10, s10, $0xb8;
	[tilespmem:$0x4A00] =	vst v63  }
0x171: {  	_ =	swait.ge [sflag:s11], $0x2000  }
0x172: {  	[sflag:s11] =	ssyncset.done $0x0  }
0x173: {  	[sflag:s11] =	ssyncadd.s32 $0xFFFFE000  }
0x174: {  	[hbm4b:s23+s2] =	stream.linear.scatter [tilespmem:s9], [sflag:$0x3], $0x2000, $0x38;
	[tilespmem:$0x4A00] =	vst v63  }
0x175: {  	_ =	swait.ge [sflag:s4], $0x2000  }
0x176: {  	[sflag:s4] =	ssyncset.done $0x0  }
0x177: {  	[sflag:s4] =	ssyncadd.s32 $0xFFFFE000  }
0x178: {  	[tilespmem:s9], [sflag:$0x1] =	stream.indirect.gather [hbm4b:s3+s10], $0x40, s31, s10, $0xb8;
	[tilespmem:$0x4A00] =	vst v63  }
0x179: {  	_ =	swait.ge [sflag:s8], $0x2000  }
0x17a: {  	[sflag:s8] =	ssyncset.done $0x0  }
0x17b: {  	s31 =	rddreg [dreg:$0x4];
	[sflag:s8] =	ssyncadd.s32 $0xFFFFE000  }
0x17c: {  	[hbm4b:s31+s2] =	stream.linear.scatter [tilespmem:s6], [sflag:$0x3], $0x2000, $0x38;
	[tilespmem:$0x4A00] =	vst v63  }
0x17d: {  	_ =	swait.ge [sflag:s4], $0x2000  }
0x17e: {  	[sflag:s4] =	ssyncset.done $0x0  }
0x17f: {  	[sflag:s4] =	ssyncadd.s32 $0xFFFFE000  }
0x180: {  	[tilespmem:s6], [sflag:$0x2] =	stream.indirect.gather [hbm4b:s3+s10], $0x40, s30, s10, $0xb8;
	[tilespmem:$0x4A00] =	vst v63  }
0x181: {  	_ =	swait.ge [sflag:s11], $0x2000  }
0x182: {  	[sflag:s11] =	ssyncset.done $0x0  }
0x183: {  	s1 =	rddreg [dreg:$0x5];
	[sflag:s11] =	ssyncadd.s32 $0xFFFFE000  }
0x184: {  	[hbm4b:s1+s2] =	stream.linear.scatter [tilespmem:s9], [sflag:$0x3], $0x2000, $0x38;
	[tilespmem:$0x4A00] =	vst v63  }
0x185: {  	_ =	swait.ge [sflag:s4], $0x2000  }
0x186: {  	[sflag:s4] =	ssyncset.done $0x0  }
0x187: {  	[sflag:s4] =	ssyncadd.s32 $0xFFFFE000  }
0x188: {  	[tilespmem:s9], [sflag:$0x1] =	stream.indirect.gather [hbm4b:s3+s10], $0x40, s29, s10, $0xb8;
	[tilespmem:$0x4A00] =	vst v63  }
0x189: {  	_ =	swait.ge [sflag:s8], $0x2000  }
0x18a: {  	[sflag:s8] =	ssyncset.done $0x0  }
0x18b: {  	s23 =	rddreg [dreg:$0x6];
	[sflag:s8] =	ssyncadd.s32 $0xFFFFE000  }
0x18c: {  	[hbm4b:s23+s2] =	stream.linear.scatter [tilespmem:s6], [sflag:$0x3], $0x2000, $0x38;
	[tilespmem:$0x4A00] =	vst v63  }
0x18d: {  	_ =	swait.ge [sflag:s4], $0x2000  }
0x18e: {  	[sflag:s4] =	ssyncset.done $0x0  }
0x18f: {  	[sflag:s4] =	ssyncadd.s32 $0xFFFFE000  }
0x190: {  	[tilespmem:s6], [sflag:$0x2] =	stream.indirect.gather [hbm4b:s3+s10], $0x40, s28, s10, $0xb8;
	[tilespmem:$0x4A00] =	vst v63  }
0x191: {  	_ =	swait.ge [sflag:s11], $0x2000  }
0x192: {  	[sflag:s11] =	ssyncset.done $0x0  }
0x193: {  	s28 =	rddreg [dreg:$0x7];
	[sflag:s11] =	ssyncadd.s32 $0xFFFFE000  }
0x194: {  	[hbm4b:s28+s2] =	stream.linear.scatter [tilespmem:s9], [sflag:$0x3], $0x2000, $0x38;
	[tilespmem:$0x4A00] =	vst v63  }
0x195: {  	_ =	swait.ge [sflag:s4], $0x2000  }
0x196: {  	[sflag:s4] =	ssyncset.done $0x0  }
0x197: {  	[sflag:s4] =	ssyncadd.s32 $0xFFFFE000  }
0x198: {  	[tilespmem:s9], [sflag:$0x1] =	stream.indirect.gather [hbm4b:s3+s10], $0x40, s26, s10, $0xb8;
	[tilespmem:$0x4A00] =	vst v63  }
0x199: {  	_ =	swait.ge [sflag:s8], $0x2000  }
0x19a: {  	[sflag:s8] =	ssyncset.done $0x0  }
0x19b: {  	s29 =	rddreg [dreg:$0x8];
	[sflag:s8] =	ssyncadd.s32 $0xFFFFE000  }
0x19c: {  	[hbm4b:s29+s2] =	stream.linear.scatter [tilespmem:s6], [sflag:$0x3], $0x2000, $0x38;
	[tilespmem:$0x4A00] =	vst v63  }
0x19d: {  	_ =	swait.ge [sflag:s4], $0x2000  }
0x19e: {  	[sflag:s4] =	ssyncset.done $0x0  }
0x19f: {  	[sflag:s4] =	ssyncadd.s32 $0xFFFFE000  }
0x1a0: {  	[tilespmem:s6], [sflag:$0x2] =	stream.indirect.gather [hbm4b:s3+s10], $0x40, s25, s10, $0xb8;
	[tilespmem:$0x4A00] =	vst v63  }
0x1a1: {  	_ =	swait.ge [sflag:s11], $0x2000  }
0x1a2: {  	[sflag:s11] =	ssyncset.done $0x0  }
0x1a3: {  	s30 =	rddreg [dreg:$0x9];
	[sflag:s11] =	ssyncadd.s32 $0xFFFFE000  }
0x1a4: {  	[hbm4b:s30+s2] =	stream.linear.scatter [tilespmem:s9], [sflag:$0x3], $0x2000, $0x38;
	[tilespmem:$0x4A00] =	vst v63  }
0x1a5: {  	_ =	swait.ge [sflag:s4], $0x2000  }
0x1a6: {  	[sflag:s4] =	ssyncset.done $0x0  }
0x1a7: {  	[sflag:s4] =	ssyncadd.s32 $0xFFFFE000  }
0x1a8: {  	[tilespmem:s9], [sflag:$0x1] =	stream.indirect.gather [hbm4b:s3+s10], $0x40, s24, s10, $0xb8;
	[tilespmem:$0x4A00] =	vst v63  }
0x1a9: {  	_ =	swait.ge [sflag:s8], $0x2000  }
0x1aa: {  	[sflag:s8] =	ssyncset.done $0x0  }
0x1ab: {  	s31 =	rddreg [dreg:$0xa];
	[sflag:s8] =	ssyncadd.s32 $0xFFFFE000  }
0x1ac: {  	[hbm4b:s31+s2] =	stream.linear.scatter [tilespmem:s6], [sflag:$0x3], $0x2000, $0x38;
	[tilespmem:$0x4A00] =	vst v63  }
0x1ad: {  	_ =	swait.ge [sflag:s4], $0x2000  }
0x1ae: {  	[sflag:s4] =	ssyncset.done $0x0  }
0x1af: {  	[sflag:s4] =	ssyncadd.s32 $0xFFFFE000  }
0x1b0: {  	[tilespmem:s6], [sflag:$0x2] =	stream.indirect.gather [hbm4b:s3+s10], $0x40, s22, s10, $0xb8;
	[tilespmem:$0x4A00] =	vst v63  }
0x1b1: {  	_ =	swait.ge [sflag:s11], $0x2000  }
0x1b2: {  	[sflag:s11] =	ssyncset.done $0x0  }
0x1b3: {  	s1 =	rddreg [dreg:$0xb];
	[sflag:s11] =	ssyncadd.s32 $0xFFFFE000  }
0x1b4: {  	[hbm4b:s1+s2] =	stream.linear.scatter [tilespmem:s9], [sflag:$0x3], $0x2000, $0x38;
	[tilespmem:$0x4A00] =	vst v63  }
0x1b5: {  	_ =	swait.ge [sflag:s4], $0x2000  }
0x1b6: {  	[sflag:s4] =	ssyncset.done $0x0  }
0x1b7: {  	[sflag:s4] =	ssyncadd.s32 $0xFFFFE000  }
0x1b8: {  	[tilespmem:s9], [sflag:$0x1] =	stream.indirect.gather [hbm4b:s3+s10], $0x40, s21, s10, $0xb8;
	[tilespmem:$0x4A00] =	vst v63  }
0x1b9: {  	_ =	swait.ge [sflag:s8], $0x2000  }
0x1ba: {  	[sflag:s8] =	ssyncset.done $0x0  }
0x1bb: {  	s21 =	rddreg [dreg:$0xc];
	[sflag:s8] =	ssyncadd.s32 $0xFFFFE000  }
0x1bc: {  	[hbm4b:s21+s2] =	stream.linear.scatter [tilespmem:s6], [sflag:$0x3], $0x2000, $0x38;
	[tilespmem:$0x4A00] =	vst v63  }
0x1bd: {  	_ =	swait.ge [sflag:s4], $0x2000  }
0x1be: {  	[sflag:s4] =	ssyncset.done $0x0  }
0x1bf: {  	[sflag:s4] =	ssyncadd.s32 $0xFFFFE000  }
0x1c0: {  	[tilespmem:s6], [sflag:$0x2] =	stream.indirect.gather [hbm4b:s3+s10], $0x40, s20, s10, $0xb8;
	[tilespmem:$0x4A00] =	vst v63  }
0x1c1: {  	_ =	swait.ge [sflag:s11], $0x2000  }
0x1c2: {  	[sflag:s11] =	ssyncset.done $0x0  }
0x1c3: {  	s22 =	rddreg [dreg:$0xd];
	[sflag:s11] =	ssyncadd.s32 $0xFFFFE000  }
0x1c4: {  	[hbm4b:s22+s2] =	stream.linear.scatter [tilespmem:s9], [sflag:$0x3], $0x2000, $0x38;
	[tilespmem:$0x4A00] =	vst v63  }
0x1c5: {  	_ =	swait.ge [sflag:s4], $0x2000  }
0x1c6: {  	[sflag:s4] =	ssyncset.done $0x0  }
0x1c7: {  	[sflag:s4] =	ssyncadd.s32 $0xFFFFE000  }
0x1c8: {  	[tilespmem:s9], [sflag:$0x1] =	stream.indirect.gather [hbm4b:s3+s10], $0x40, s19, s10, $0xb8;
	[tilespmem:$0x4A00] =	vst v63  }
0x1c9: {  	_ =	swait.ge [sflag:s8], $0x2000  }
0x1ca: {  	[sflag:s8] =	ssyncset.done $0x0  }
0x1cb: {  	s23 =	rddreg [dreg:$0xe];
	[sflag:s8] =	ssyncadd.s32 $0xFFFFE000  }
0x1cc: {  	[hbm4b:s23+s2] =	stream.linear.scatter [tilespmem:s6], [sflag:$0x3], $0x2000, $0x38;
	[tilespmem:$0x4A00] =	vst v63  }
0x1cd: {  	_ =	swait.ge [sflag:s4], $0x2000  }
0x1ce: {  	[sflag:s4] =	ssyncset.done $0x0  }
0x1cf: {  	[sflag:s4] =	ssyncadd.s32 $0xFFFFE000  }
0x1d0: {  	[tilespmem:s6], [sflag:$0x2] =	stream.indirect.gather [hbm4b:s3+s10], $0x40, s18, s10, $0xb8;
	[tilespmem:$0x4A00] =	vst v63  }
0x1d1: {  	_ =	swait.ge [sflag:s11], $0x2000  }
0x1d2: {  	[sflag:s11] =	ssyncset.done $0x0  }
0x1d3: {  	s24 =	rddreg [dreg:$0xf];
	[sflag:s11] =	ssyncadd.s32 $0xFFFFE000  }
0x1d4: {  	[hbm4b:s24+s2] =	stream.linear.scatter [tilespmem:s9], [sflag:$0x3], $0x2000, $0x38;
	[tilespmem:$0x4A00] =	vst v63  }
0x1d5: {  	_ =	swait.ge [sflag:s4], $0x2000  }
0x1d6: {  	[sflag:s4] =	ssyncset.done $0x0  }
0x1d7: {  	[sflag:s4] =	ssyncadd.s32 $0xFFFFE000  }
0x1d8: {  	[tilespmem:s9], [sflag:$0x1] =	stream.indirect.gather [hbm4b:s3+s10], $0x40, s17, s10, $0xb8;
	[tilespmem:$0x4A00] =	vst v63  }
0x1d9: {  	_ =	swait.ge [sflag:s8], $0x2000  }
0x1da: {  	[sflag:s8] =	ssyncset.done $0x0  }
0x1db: {  	s25 =	rddreg [dreg:$0x10];
	[sflag:s8] =	ssyncadd.s32 $0xFFFFE000  }
0x1dc: {  	[hbm4b:s25+s2] =	stream.linear.scatter [tilespmem:s6], [sflag:$0x3], $0x2000, $0x38;
	[tilespmem:$0x4A00] =	vst v63  }
0x1dd: {  	_ =	swait.ge [sflag:s4], $0x2000  }
0x1de: {  	[sflag:s4] =	ssyncset.done $0x0  }
0x1df: {  	[sflag:s4] =	ssyncadd.s32 $0xFFFFE000  }
0x1e0: {  	[tilespmem:s6], [sflag:$0x2] =	stream.indirect.gather [hbm4b:s3+s10], $0x40, s16, s10, $0xb8;
	[tilespmem:$0x4A00] =	vst v63  }
0x1e1: {  	_ =	swait.ge [sflag:s11], $0x2000  }
0x1e2: {  	[sflag:s11] =	ssyncset.done $0x0  }
0x1e3: {  	s26 =	rddreg [dreg:$0x11];
	[sflag:s11] =	ssyncadd.s32 $0xFFFFE000  }
0x1e4: {  	[hbm4b:s26+s2] =	stream.linear.scatter [tilespmem:s9], [sflag:$0x3], $0x2000, $0x38;
	[tilespmem:$0x4A00] =	vst v63  }
0x1e5: {  	_ =	swait.ge [sflag:s4], $0x2000  }
0x1e6: {  	[sflag:s4] =	ssyncset.done $0x0  }
0x1e7: {  	[sflag:s4] =	ssyncadd.s32 $0xFFFFE000  }
0x1e8: {  	[tilespmem:s9], [sflag:$0x1] =	stream.indirect.gather [hbm4b:s3+s10], $0x40, s15, s10, $0xb8;
	[tilespmem:$0x4A00] =	vst v63  }
0x1e9: {  	_ =	swait.ge [sflag:s8], $0x2000  }
0x1ea: {  	[sflag:s8] =	ssyncset.done $0x0  }
0x1eb: {  	s28 =	rddreg [dreg:$0x12];
	[sflag:s8] =	ssyncadd.s32 $0xFFFFE000  }
0x1ec: {  	[hbm4b:s28+s2] =	stream.linear.scatter [tilespmem:s6], [sflag:$0x3], $0x2000, $0x38;
	[tilespmem:$0x4A00] =	vst v63  }
0x1ed: {  	_ =	swait.ge [sflag:s4], $0x2000  }
0x1ee: {  	[sflag:s4] =	ssyncset.done $0x0  }
0x1ef: {  	[sflag:s4] =	ssyncadd.s32 $0xFFFFE000  }
0x1f0: {  	[tilespmem:s6], [sflag:$0x2] =	stream.indirect.gather [hbm4b:s3+s10], $0x40, s14, s10, $0xb8;
	[tilespmem:$0x4A00] =	vst v63  }
0x1f1: {  	_ =	swait.ge [sflag:s11], $0x2000  }
0x1f2: {  	[sflag:s11] =	ssyncset.done $0x0  }
0x1f3: {  	s29 =	rddreg [dreg:$0x13];
	[sflag:s11] =	ssyncadd.s32 $0xFFFFE000  }
0x1f4: {  	[hbm4b:s29+s2] =	stream.linear.scatter [tilespmem:s9], [sflag:$0x3], $0x2000, $0x38;
	[tilespmem:$0x4A00] =	vst v63  }
0x1f5: {  	_ =	swait.ge [sflag:s4], $0x2000  }
0x1f6: {  	[sflag:s4] =	ssyncset.done $0x0  }
0x1f7: {  	[sflag:s4] =	ssyncadd.s32 $0xFFFFE000  }
0x1f8: {  	[tilespmem:s9], [sflag:$0x1] =	stream.indirect.gather [hbm4b:s3+s10], $0x40, s13, s10, $0xb8;
	[tilespmem:$0x4A00] =	vst v63  }
0x1f9: {  	_ =	swait.ge [sflag:s8], $0x2000  }
0x1fa: {  	[sflag:s8] =	ssyncset.done $0x0  }
0x1fb: {  	s30 =	rddreg [dreg:$0x14];
	[sflag:s8] =	ssyncadd.s32 $0xFFFFE000  }
0x1fc: {  	[hbm4b:s30+s2] =	stream.linear.scatter [tilespmem:s6], [sflag:$0x3], $0x2000, $0x38;
	[tilespmem:$0x4A00] =	vst v63  }
0x1fd: {  	_ =	swait.ge [sflag:s4], $0x2000  }
0x1fe: {  	[sflag:s4] =	ssyncset.done $0x0  }
0x1ff: {  	[sflag:s4] =	ssyncadd.s32 $0xFFFFE000  }
0x200: {  	[tilespmem:s6], [sflag:$0x2] =	stream.indirect.gather [hbm4b:s3+s10], $0x40, s12, s10, $0xb8;
	[tilespmem:$0x4A00] =	vst v63  }
0x201: {  	_ =	swait.ge [sflag:s11], $0x2000  }
0x202: {  	[sflag:s11] =	ssyncset.done $0x0  }
0x203: {  	[sflag:s11] =	ssyncadd.s32 $0xFFFFE000  }
0x204: {  	[hbm4b:s7+s2] =	stream.linear.scatter [tilespmem:s9], [sflag:$0x3], $0x2000, $0x38;
	[tilespmem:$0x4A00] =	vst v63  }
0x205: {  	_ =	swait.ge [sflag:s4], $0x2000  }
0x206: {  	[sflag:s4] =	ssyncset.done $0x0  }
0x207: {  	[sflag:s4] =	ssyncadd.s32 $0xFFFFE000  }
0x208: {  	_ =	swait.ge [sflag:s8], $0x2000  }
0x209: {  	[sflag:s8] =	ssyncset.done $0x0  }
0x20a: {  	[sflag:s8] =	ssyncadd.s32 $0xFFFFE000  }
0x20b: {  	[hbm4b:s5+s2] =	stream.linear.scatter [tilespmem:s6], [sflag:$0x3], $0x2000, $0x38;
	[tilespmem:$0x4A00] =	vst v63  }
0x20c: {  	_ =	swait.ge [sflag:s4], $0x2000  }
0x20d: {  	[sflag:s4] =	ssyncset.done $0x0  }
0x20e: {  	[sflag:s4] =	ssyncadd.s32 $0xFFFFE000  }
0x20f: {  	_ =	sfence.sel $0x180000  }
0x210: {  	[bflag:$0x0] =	sbarrier.arrive $0xFFFF  }
0x211: {  	_ =	strace $0x90000047  }
0x212: {  	s31 =	stileid.u32;
	[bflag:$0x2] =	sbarrier.arrive $0xFFFF  }
0x213: {  	p0 =	sne.s32 s31, $0x0;
	s0 =	rddreg [dreg:$0x2]  }
0x214: {  	s0 =	sadd.s32 @!p0 $0x100000, s0  }
0x215: {  	[sflag:s0] =	ssyncadd.tile.s32 @!p0 $0x1;
	_ =	shalt  }
.Lfunc_end2:
_tile_overlayer_lowered:
.L_overlay_start_2:
0x216: {  	(tag) =	ssettag $0x2  }
0x217: {  	s0 =	rddreg [dreg:$0x0];
	s2 =	stileid.u32  }
0x218: {  	s1 =	rddreg [dreg:$0x1];
	p0 =	sne.s32 s2, $0x0  }
0x219: {  	s3 =	rddreg [dreg:$0x2];
	[bflag:$0x3] =	sbarrier.arrive $0xFFFF;
	s2 =	simm.s32 @!p0 $0x1C03  }
0x21a: {  	[timem:s3], [sflag:s2] =	dma.local @!p0 [hbm:s0], s1  }
0x21b: {  	s0 =	simm.s32 @!p0 $0x3  }
0x21c: {  	_ =	swait.ge @!p0 [sflag:s0], s1  }
0x21d: {  	s1 =	ssub.s32 @!p0 $0x0, s1;
	[sflag:s0] =	ssyncset.done @!p0 $0x0  }
0x21e: {  	[sflag:s0] =	ssyncadd.s32 @!p0 s1  }
0x21f: {  	[bflag:$0x3] =	sbarrier.arrive $0xFFFF  }
0x220: {  	_ =	shalt  }

</sc_bundles>
